<compile_context>
chip_gen: v7x
topology: tpu7x:2x2x1
jax: 0.10.2.dev20260603
libtpu: 0.0.44.dev20260713+nightly
codegen_flags: <defaults>
</compile_context>

<pallas_src>
import functools

import jax
import jax.numpy as jnp
from jax import lax
from jax.experimental import pallas as pl
from jax.experimental.pallas import tpu as pltpu
from jax.experimental.pallas import tpu_sc as plsc

D_MODEL = 1024
VOCAB_ROWS = 50
B_TOTAL = 4 * 8192
_LANES = 16

_INFO = plsc.get_sparse_core_info()
_NC = _INFO.num_cores
_NS = _INFO.num_subcores
_NW = _NC * _NS
_B_PER_W = B_TOTAL // _NW
_NGROUP = _B_PER_W // _LANES


def _make_sc_lookup():
    mesh = plsc.VectorSubcoreMesh(core_axis_name="c", subcore_axis_name="s")

    @functools.partial(
        pl.kernel,
        mesh=mesh,
        out_type=jax.ShapeDtypeStruct((B_TOTAL, D_MODEL), jnp.float32),
        scratch_types=[
            pltpu.VMEM((_B_PER_W,), jnp.int32),
            pltpu.VMEM((VOCAB_ROWS, D_MODEL), jnp.float32),
            pltpu.SemaphoreType.DMA,
        ],
    )
    def sc_lookup(table_hbm, idx_hbm, out_hbm, idx_v, table_v, sem):
        wid = lax.axis_index("s") * _NC + lax.axis_index("c")
        base = wid * _B_PER_W
        pltpu.sync_copy(table_hbm, table_v)
        pltpu.sync_copy(idx_hbm.at[pl.ds(base, _B_PER_W)], idx_v)

        @pl.loop(0, _NGROUP)
        def _(g):
            r0 = g * _LANES
            idx16 = idx_v[pl.ds(r0, _LANES)]
            for l in range(_LANES):
                pltpu.async_copy(
                    table_v.at[idx16[l]], out_hbm.at[base + r0 + l], sem
                )

        @pl.loop(0, _NGROUP)
        def _(g):
            pltpu.make_async_copy(
                table_v.at[pl.ds(0, _LANES)],
                out_hbm.at[pl.ds(base, _LANES)],
                sem,
            ).wait()

    return sc_lookup


_sc_lookup = _make_sc_lookup()


@jax.jit
def kernel(x, table):
    flat_idx = x.reshape(B_TOTAL).astype(jnp.int32)
    out = _sc_lookup(table, flat_idx)
    return out.reshape(x.shape[0], x.shape[1], D_MODEL)

# --- scband reference (transcript-rebuilt; emitter-appended) ---
"""Pipeline reference for scband-embedding-41712722378954 (READ-ONLY COPY).

The authoritative reference and input builder live on the scoring server;
editing this copy changes nothing except your own understanding.
"""

import jax, jax.numpy as jnp
import numpy as np

D_MODEL = 1024
VOCAB = 50
DROPOUT = 0.1

def setup_inputs(seed: int = 0) -> dict:
    key = jax.random.key(seed)
    k1, k2 = jax.random.split(key)
    x = jax.random.randint(k1, (4, 8192), 0, VOCAB, dtype=jnp.int64 if jax.config.jax_enable_x64 else jnp.int32)
    table = jax.random.normal(k2, (VOCAB, D_MODEL), dtype=jnp.float32)
    return {"x": x, "table": table}

def reference(x, table):
    # nn.Embedding lookup: gather rows of the table
    out = jnp.take(table, x, axis=0)
    # f.dropout(x, p, training=False) is identity at inference time
    return out

if __name__ == "__main__":
    import jax
    _d = setup_inputs()
    print(jax.jit(kernel)(*tuple(_d.values())))

</pallas_src>

<mosaic_0001>
#map = affine_map<(d0, d1) -> (0, 0)>
#map1 = affine_map<(d0, d1) -> (0)>
module attributes {stable_mosaic.version = 14 : i64} {
  func.func @sc_lookup(%arg0: i32, %arg1: i32, %arg2: memref<50x1024xf32, #tpu.memory_space<hbm>>, %arg3: memref<32768xi32, #tpu.memory_space<hbm>>, %arg4: memref<32768x1024xf32, #tpu.memory_space<hbm>>, %arg5: memref<1024xi32, #tpu.memory_space<vmem>>, %arg6: memref<50x1024xf32, #tpu.memory_space<vmem>>, %arg7: memref<!tpu.dma_semaphore, #tpu.memory_space<semaphore_mem>>) attributes {dimension_semantics = [#tpu.dimension_semantics<core_parallel>, #tpu.dimension_semantics<subcore_parallel>], iteration_bounds = array<i64: 2, 16>, scalar_prefetch = 0 : i64, scratch_operands = 3 : i64, tpu.core_type = #tpu.core_type<sc_vector_subcore>, window_params = [{transform_indices = #map}, {transform_indices = #map1}, {transform_indices = #map}]} {
    %mul3A = arith.constant 2 : i32
    %mul3A_0 = arith.muli %arg1, %mul3A : i32
    %add3A = arith.addi %mul3A_0, %arg0 : i32
    %mul3A_1 = arith.constant 1024 : i32
    %mul3A_2 = arith.muli %add3A, %mul3A_1 : i32
    "tpu.region"() ({
      %run_scoped3A = tpu.sem_alloc : memref<!tpu.dma_semaphore, #tpu.memory_space<semaphore_mem>>
      tpu.enqueue_dma source(%arg2 : memref<50x1024xf32, #tpu.memory_space<hbm>>) target(%arg6 : memref<50x1024xf32, #tpu.memory_space<vmem>>) target_semaphore(%run_scoped3A : memref<!tpu.dma_semaphore, #tpu.memory_space<semaphore_mem>>)
      tpu.wait_dma2 semaphore(%run_scoped3A : memref<!tpu.dma_semaphore, #tpu.memory_space<semaphore_mem>>) src(%arg2 : memref<50x1024xf32, #tpu.memory_space<hbm>>) dst(%arg6 : memref<50x1024xf32, #tpu.memory_space<vmem>>)
      tpu.yield
    }) : () -> ()
    "tpu.region"() ({
      %run_scoped3A = tpu.sem_alloc : memref<!tpu.dma_semaphore, #tpu.memory_space<semaphore_mem>>
      %dma_start3A = tpu.memref_slice %arg3[%mul3A_2] : memref<32768xi32, #tpu.memory_space<hbm>> -> memref<1024xi32, #tpu.memory_space<hbm>>
      %dma_start3A_12 = tpu.memref_slice %arg3[%mul3A_2] : memref<32768xi32, #tpu.memory_space<hbm>> -> memref<1024xi32, #tpu.memory_space<hbm>>
      tpu.enqueue_dma source(%dma_start3A_12 : memref<1024xi32, #tpu.memory_space<hbm>>) target(%arg5 : memref<1024xi32, #tpu.memory_space<vmem>>) target_semaphore(%run_scoped3A : memref<!tpu.dma_semaphore, #tpu.memory_space<semaphore_mem>>)
      %dma_wait3A = tpu.memref_slice %arg3[%mul3A_2] : memref<32768xi32, #tpu.memory_space<hbm>> -> memref<1024xi32, #tpu.memory_space<hbm>>
      %dma_wait3A_13 = tpu.memref_slice %arg3[%mul3A_2] : memref<32768xi32, #tpu.memory_space<hbm>> -> memref<1024xi32, #tpu.memory_space<hbm>>
      tpu.wait_dma2 semaphore(%run_scoped3A : memref<!tpu.dma_semaphore, #tpu.memory_space<semaphore_mem>>) src(%dma_wait3A_13 : memref<1024xi32, #tpu.memory_space<hbm>>) dst(%arg5 : memref<1024xi32, #tpu.memory_space<vmem>>)
      tpu.yield
    }) : () -> ()
    %scan3A = arith.constant 0 : i32
    %scan3A_3 = arith.constant 64 : i32
    %scan3A_4 = arith.addi %scan3A, %scan3A_3 : i32
    %scan3A_5 = arith.constant 1 : i32
    scf.for %scan3A_12 = %scan3A to %scan3A_4 step %scan3A_5  : i32 {
      %mul3A_13 = arith.constant 1 : i32
      %mul3A_14 = arith.muli %scan3A_12, %mul3A_13 : i32
      %add3A_15 = arith.constant 0 : i32
      %add3A_16 = arith.addi %add3A_15, %mul3A_14 : i32
      %mul3A_17 = arith.constant 16 : i32
      %mul3A_18 = arith.muli %add3A_16, %mul3A_17 : i32
      %get3A = arith.index_cast %mul3A_18 : i32 to index
      %get3A_19 = tpu.vector_load %arg5[%get3A] {strides = array<i32>} : memref<1024xi32, #tpu.memory_space<vmem>>, vector<16xi32>,
      %get3A_20 = vector.shape_cast %get3A_19 : vector<16xi32> to vector<16xi32>
      %slice3A = vector.extract_strided_slice %get3A_20 {offsets = [0], sizes = [1], strides = [1]} : vector<16xi32> to vector<1xi32>
      %squeeze3A = vector.extract %slice3A[0] : i32 from vector<1xi32>
      %add3A_21 = arith.addi %mul3A_2, %mul3A_18 : i32
      %add3A_22 = arith.constant 0 : i32
      %add3A_23 = arith.addi %add3A_21, %add3A_22 : i32
      %dma_start3A = arith.constant 0 : i32
      %dma_start3A_24 = tpu.memref_slice %arg6[%squeeze3A, %dma_start3A] : memref<50x1024xf32, #tpu.memory_space<vmem>> -> memref<1x1024xf32, #tpu.memory_space<vmem>>
      %dma_start3A_25 = tpu.memref_squeeze %dma_start3A_24 : memref<1x1024xf32, #tpu.memory_space<vmem>> -> memref<1024xf32, #tpu.memory_space<vmem>>
      %dma_start3A_26 = arith.constant 0 : i32
      %dma_start3A_27 = tpu.memref_slice %arg4[%add3A_23, %dma_start3A_26] : memref<32768x1024xf32, #tpu.memory_space<hbm>> -> memref<1x1024xf32, #tpu.memory_space<hbm>>
      %dma_start3A_28 = tpu.memref_squeeze %dma_start3A_27 : memref<1x1024xf32, #tpu.memory_space<hbm>> -> memref<1024xf32, #tpu.memory_space<hbm>>
      %dma_start3A_29 = arith.constant 0 : i32
      %dma_start3A_30 = tpu.memref_slice %arg4[%add3A_23, %dma_start3A_29] : memref<32768x1024xf32, #tpu.memory_space<hbm>> -> memref<1x1024xf32, #tpu.memory_space<hbm>>
      %dma_start3A_31 = tpu.memref_squeeze %dma_start3A_30 : memref<1x1024xf32, #tpu.memory_space<hbm>> -> memref<1024xf32, #tpu.memory_space<hbm>>
      %dma_start3A_32 = arith.constant 0 : i32
      %dma_start3A_33 = tpu.memref_slice %arg6[%squeeze3A, %dma_start3A_32] : memref<50x1024xf32, #tpu.memory_space<vmem>> -> memref<1x1024xf32, #tpu.memory_space<vmem>>
      %dma_start3A_34 = tpu.memref_squeeze %dma_start3A_33 : memref<1x1024xf32, #tpu.memory_space<vmem>> -> memref<1024xf32, #tpu.memory_space<vmem>>
      tpu.enqueue_dma source(%dma_start3A_34 : memref<1024xf32, #tpu.memory_space<vmem>>) target(%dma_start3A_31 : memref<1024xf32, #tpu.memory_space<hbm>>) target_semaphore(%arg7 : memref<!tpu.dma_semaphore, #tpu.memory_space<semaphore_mem>>)
      %slice3A_35 = vector.extract_strided_slice %get3A_20 {offsets = [1], sizes = [1], strides = [1]} : vector<16xi32> to vector<1xi32>
      %squeeze3A_36 = vector.extract %slice3A_35[0] : i32 from vector<1xi32>
      %add3A_37 = arith.addi %mul3A_2, %mul3A_18 : i32
      %add3A_38 = arith.constant 1 : i32
      %add3A_39 = arith.addi %add3A_37, %add3A_38 : i32
      %dma_start3A_40 = arith.constant 0 : i32
      %dma_start3A_41 = tpu.memref_slice %arg6[%squeeze3A_36, %dma_start3A_40] : memref<50x1024xf32, #tpu.memory_space<vmem>> -> memref<1x1024xf32, #tpu.memory_space<vmem>>
      %dma_start3A_42 = tpu.memref_squeeze %dma_start3A_41 : memref<1x1024xf32, #tpu.memory_space<vmem>> -> memref<1024xf32, #tpu.memory_space<vmem>>
      %dma_start3A_43 = arith.constant 0 : i32
      %dma_start3A_44 = tpu.memref_slice %arg4[%add3A_39, %dma_start3A_43] : memref<32768x1024xf32, #tpu.memory_space<hbm>> -> memref<1x1024xf32, #tpu.memory_space<hbm>>
      %dma_start3A_45 = tpu.memref_squeeze %dma_start3A_44 : memref<1x1024xf32, #tpu.memory_space<hbm>> -> memref<1024xf32, #tpu.memory_space<hbm>>
      %dma_start3A_46 = arith.constant 0 : i32
      %dma_start3A_47 = tpu.memref_slice %arg4[%add3A_39, %dma_start3A_46] : memref<32768x1024xf32, #tpu.memory_space<hbm>> -> memref<1x1024xf32, #tpu.memory_space<hbm>>
      %dma_start3A_48 = tpu.memref_squeeze %dma_start3A_47 : memref<1x1024xf32, #tpu.memory_space<hbm>> -> memref<1024xf32, #tpu.memory_space<hbm>>
      %dma_start3A_49 = arith.constant 0 : i32
      %dma_start3A_50 = tpu.memref_slice %arg6[%squeeze3A_36, %dma_start3A_49] : memref<50x1024xf32, #tpu.memory_space<vmem>> -> memref<1x1024xf32, #tpu.memory_space<vmem>>
      %dma_start3A_51 = tpu.memref_squeeze %dma_start3A_50 : memref<1x1024xf32, #tpu.memory_space<vmem>> -> memref<1024xf32, #tpu.memory_space<vmem>>
      tpu.enqueue_dma source(%dma_start3A_51 : memref<1024xf32, #tpu.memory_space<vmem>>) target(%dma_start3A_48 : memref<1024xf32, #tpu.memory_space<hbm>>) target_semaphore(%arg7 : memref<!tpu.dma_semaphore, #tpu.memory_space<semaphore_mem>>)
      %slice3A_52 = vector.extract_strided_slice %get3A_20 {offsets = [2], sizes = [1], strides = [1]} : vector<16xi32> to vector<1xi32>
      %squeeze3A_53 = vector.extract %slice3A_52[0] : i32 from vector<1xi32>
      %add3A_54 = arith.addi %mul3A_2, %mul3A_18 : i32
      %add3A_55 = arith.constant 2 : i32
      %add3A_56 = arith.addi %add3A_54, %add3A_55 : i32
      %dma_start3A_57 = arith.constant 0 : i32
      %dma_start3A_58 = tpu.memref_slice %arg6[%squeeze3A_53, %dma_start3A_57] : memref<50x1024xf32, #tpu.memory_space<vmem>> -> memref<1x1024xf32, #tpu.memory_space<vmem>>
      %dma_start3A_59 = tpu.memref_squeeze %dma_start3A_58 : memref<1x1024xf32, #tpu.memory_space<vmem>> -> memref<1024xf32, #tpu.memory_space<vmem>>
      %dma_start3A_60 = arith.constant 0 : i32
      %dma_start3A_61 = tpu.memref_slice %arg4[%add3A_56, %dma_start3A_60] : memref<32768x1024xf32, #tpu.memory_space<hbm>> -> memref<1x1024xf32, #tpu.memory_space<hbm>>
      %dma_start3A_62 = tpu.memref_squeeze %dma_start3A_61 : memref<1x1024xf32, #tpu.memory_space<hbm>> -> memref<1024xf32, #tpu.memory_space<hbm>>
      %dma_start3A_63 = arith.constant 0 : i32
      %dma_start3A_64 = tpu.memref_slice %arg4[%add3A_56, %dma_start3A_63] : memref<32768x1024xf32, #tpu.memory_space<hbm>> -> memref<1x1024xf32, #tpu.memory_space<hbm>>
      %dma_start3A_65 = tpu.memref_squeeze %dma_start3A_64 : memref<1x1024xf32, #tpu.memory_space<hbm>> -> memref<1024xf32, #tpu.memory_space<hbm>>
      %dma_start3A_66 = arith.constant 0 : i32
      %dma_start3A_67 = tpu.memref_slice %arg6[%squeeze3A_53, %dma_start3A_66] : memref<50x1024xf32, #tpu.memory_space<vmem>> -> memref<1x1024xf32, #tpu.memory_space<vmem>>
      %dma_start3A_68 = tpu.memref_squeeze %dma_start3A_67 : memref<1x1024xf32, #tpu.memory_space<vmem>> -> memref<1024xf32, #tpu.memory_space<vmem>>
      tpu.enqueue_dma source(%dma_start3A_68 : memref<1024xf32, #tpu.memory_space<vmem>>) target(%dma_start3A_65 : memref<1024xf32, #tpu.memory_space<hbm>>) target_semaphore(%arg7 : memref<!tpu.dma_semaphore, #tpu.memory_space<semaphore_mem>>)
      %slice3A_69 = vector.extract_strided_slice %get3A_20 {offsets = [3], sizes = [1], strides = [1]} : vector<16xi32> to vector<1xi32>
      %squeeze3A_70 = vector.extract %slice3A_69[0] : i32 from vector<1xi32>
      %add3A_71 = arith.addi %mul3A_2, %mul3A_18 : i32
      %add3A_72 = arith.constant 3 : i32
      %add3A_73 = arith.addi %add3A_71, %add3A_72 : i32
      %dma_start3A_74 = arith.constant 0 : i32
      %dma_start3A_75 = tpu.memref_slice %arg6[%squeeze3A_70, %dma_start3A_74] : memref<50x1024xf32, #tpu.memory_space<vmem>> -> memref<1x1024xf32, #tpu.memory_space<vmem>>
      %dma_start3A_76 = tpu.memref_squeeze %dma_start3A_75 : memref<1x1024xf32, #tpu.memory_space<vmem>> -> memref<1024xf32, #tpu.memory_space<vmem>>
      %dma_start3A_77 = arith.constant 0 : i32
      %dma_start3A_78 = tpu.memref_slice %arg4[%add3A_73, %dma_start3A_77] : memref<32768x1024xf32, #tpu.memory_space<hbm>> -> memref<1x1024xf32, #tpu.memory_space<hbm>>
      %dma_start3A_79 = tpu.memref_squeeze %dma_start3A_78 : memref<1x1024xf32, #tpu.memory_space<hbm>> -> memref<1024xf32, #tpu.memory_space<hbm>>
      %dma_start3A_80 = arith.constant 0 : i32
      %dma_start3A_81 = tpu.memref_slice %arg4[%add3A_73, %dma_start3A_80] : memref<32768x1024xf32, #tpu.memory_space<hbm>> -> memref<1x1024xf32, #tpu.memory_space<hbm>>
      %dma_start3A_82 = tpu.memref_squeeze %dma_start3A_81 : memref<1x1024xf32, #tpu.memory_space<hbm>> -> memref<1024xf32, #tpu.memory_space<hbm>>
      %dma_start3A_83 = arith.constant 0 : i32
      %dma_start3A_84 = tpu.memref_slice %arg6[%squeeze3A_70, %dma_start3A_83] : memref<50x1024xf32, #tpu.memory_space<vmem>> -> memref<1x1024xf32, #tpu.memory_space<vmem>>
      %dma_start3A_85 = tpu.memref_squeeze %dma_start3A_84 : memref<1x1024xf32, #tpu.memory_space<vmem>> -> memref<1024xf32, #tpu.memory_space<vmem>>
      tpu.enqueue_dma source(%dma_start3A_85 : memref<1024xf32, #tpu.memory_space<vmem>>) target(%dma_start3A_82 : memref<1024xf32, #tpu.memory_space<hbm>>) target_semaphore(%arg7 : memref<!tpu.dma_semaphore, #tpu.memory_space<semaphore_mem>>)
      %slice3A_86 = vector.extract_strided_slice %get3A_20 {offsets = [4], sizes = [1], strides = [1]} : vector<16xi32> to vector<1xi32>
      %squeeze3A_87 = vector.extract %slice3A_86[0] : i32 from vector<1xi32>
      %add3A_88 = arith.addi %mul3A_2, %mul3A_18 : i32
      %add3A_89 = arith.constant 4 : i32
      %add3A_90 = arith.addi %add3A_88, %add3A_89 : i32
      %dma_start3A_91 = arith.constant 0 : i32
      %dma_start3A_92 = tpu.memref_slice %arg6[%squeeze3A_87, %dma_start3A_91] : memref<50x1024xf32, #tpu.memory_space<vmem>> -> memref<1x1024xf32, #tpu.memory_space<vmem>>
      %dma_start3A_93 = tpu.memref_squeeze %dma_start3A_92 : memref<1x1024xf32, #tpu.memory_space<vmem>> -> memref<1024xf32, #tpu.memory_space<vmem>>
      %dma_start3A_94 = arith.constant 0 : i32
      %dma_start3A_95 = tpu.memref_slice %arg4[%add3A_90, %dma_start3A_94] : memref<32768x1024xf32, #tpu.memory_space<hbm>> -> memref<1x1024xf32, #tpu.memory_space<hbm>>
      %dma_start3A_96 = tpu.memref_squeeze %dma_start3A_95 : memref<1x1024xf32, #tpu.memory_space<hbm>> -> memref<1024xf32, #tpu.memory_space<hbm>>
      %dma_start3A_97 = arith.constant 0 : i32
      %dma_start3A_98 = tpu.memref_slice %arg4[%add3A_90, %dma_start3A_97] : memref<32768x1024xf32, #tpu.memory_space<hbm>> -> memref<1x1024xf32, #tpu.memory_space<hbm>>
      %dma_start3A_99 = tpu.memref_squeeze %dma_start3A_98 : memref<1x1024xf32, #tpu.memory_space<hbm>> -> memref<1024xf32, #tpu.memory_space<hbm>>
      %dma_start3A_100 = arith.constant 0 : i32
      %dma_start3A_101 = tpu.memref_slice %arg6[%squeeze3A_87, %dma_start3A_100] : memref<50x1024xf32, #tpu.memory_space<vmem>> -> memref<1x1024xf32, #tpu.memory_space<vmem>>
      %dma_start3A_102 = tpu.memref_squeeze %dma_start3A_101 : memref<1x1024xf32, #tpu.memory_space<vmem>> -> memref<1024xf32, #tpu.memory_space<vmem>>
      tpu.enqueue_dma source(%dma_start3A_102 : memref<1024xf32, #tpu.memory_space<vmem>>) target(%dma_start3A_99 : memref<1024xf32, #tpu.memory_space<hbm>>) target_semaphore(%arg7 : memref<!tpu.dma_semaphore, #tpu.memory_space<semaphore_mem>>)
      %slice3A_103 = vector.extract_strided_slice %get3A_20 {offsets = [5], sizes = [1], strides = [1]} : vector<16xi32> to vector<1xi32>
      %squeeze3A_104 = vector.extract %slice3A_103[0] : i32 from vector<1xi32>
      %add3A_105 = arith.addi %mul3A_2, %mul3A_18 : i32
      %add3A_106 = arith.constant 5 : i32
      %add3A_107 = arith.addi %add3A_105, %add3A_106 : i32
      %dma_start3A_108 = arith.constant 0 : i32
      %dma_start3A_109 = tpu.memref_slice %arg6[%squeeze3A_104, %dma_start3A_108] : memref<50x1024xf32, #tpu.memory_space<vmem>> -> memref<1x1024xf32, #tpu.memory_space<vmem>>
      %dma_start3A_110 = tpu.memref_squeeze %dma_start3A_109 : memref<1x1024xf32, #tpu.memory_space<vmem>> -> memref<1024xf32, #tpu.memory_space<vmem>>
      %dma_start3A_111 = arith.constant 0 : i32
      %dma_start3A_112 = tpu.memref_slice %arg4[%add3A_107, %dma_start3A_111] : memref<32768x1024xf32, #tpu.memory_space<hbm>> -> memref<1x1024xf32, #tpu.memory_space<hbm>>
      %dma_start3A_113 = tpu.memref_squeeze %dma_start3A_112 : memref<1x1024xf32, #tpu.memory_space<hbm>> -> memref<1024xf32, #tpu.memory_space<hbm>>
      %dma_start3A_114 = arith.constant 0 : i32
      %dma_start3A_115 = tpu.memref_slice %arg4[%add3A_107, %dma_start3A_114] : memref<32768x1024xf32, #tpu.memory_space<hbm>> -> memref<1x1024xf32, #tpu.memory_space<hbm>>
      %dma_start3A_116 = tpu.memref_squeeze %dma_start3A_115 : memref<1x1024xf32, #tpu.memory_space<hbm>> -> memref<1024xf32, #tpu.memory_space<hbm>>
      %dma_start3A_117 = arith.constant 0 : i32
      %dma_start3A_118 = tpu.memref_slice %arg6[%squeeze3A_104, %dma_start3A_117] : memref<50x1024xf32, #tpu.memory_space<vmem>> -> memref<1x1024xf32, #tpu.memory_space<vmem>>
      %dma_start3A_119 = tpu.memref_squeeze %dma_start3A_118 : memref<1x1024xf32, #tpu.memory_space<vmem>> -> memref<1024xf32, #tpu.memory_space<vmem>>
      tpu.enqueue_dma source(%dma_start3A_119 : memref<1024xf32, #tpu.memory_space<vmem>>) target(%dma_start3A_116 : memref<1024xf32, #tpu.memory_space<hbm>>) target_semaphore(%arg7 : memref<!tpu.dma_semaphore, #tpu.memory_space<semaphore_mem>>)
      %slice3A_120 = vector.extract_strided_slice %get3A_20 {offsets = [6], sizes = [1], strides = [1]} : vector<16xi32> to vector<1xi32>
      %squeeze3A_121 = vector.extract %slice3A_120[0] : i32 from vector<1xi32>
      %add3A_122 = arith.addi %mul3A_2, %mul3A_18 : i32
      %add3A_123 = arith.constant 6 : i32
      %add3A_124 = arith.addi %add3A_122, %add3A_123 : i32
      %dma_start3A_125 = arith.constant 0 : i32
      %dma_start3A_126 = tpu.memref_slice %arg6[%squeeze3A_121, %dma_start3A_125] : memref<50x1024xf32, #tpu.memory_space<vmem>> -> memref<1x1024xf32, #tpu.memory_space<vmem>>
      %dma_start3A_127 = tpu.memref_squeeze %dma_start3A_126 : memref<1x1024xf32, #tpu.memory_space<vmem>> -> memref<1024xf32, #tpu.memory_space<vmem>>
      %dma_start3A_128 = arith.constant 0 : i32
      %dma_start3A_129 = tpu.memref_slice %arg4[%add3A_124, %dma_start3A_128] : memref<32768x1024xf32, #tpu.memory_space<hbm>> -> memref<1x1024xf32, #tpu.memory_space<hbm>>
      %dma_start3A_130 = tpu.memref_squeeze %dma_start3A_129 : memref<1x1024xf32, #tpu.memory_space<hbm>> -> memref<1024xf32, #tpu.memory_space<hbm>>
      %dma_start3A_131 = arith.constant 0 : i32
      %dma_start3A_132 = tpu.memref_slice %arg4[%add3A_124, %dma_start3A_131] : memref<32768x1024xf32, #tpu.memory_space<hbm>> -> memref<1x1024xf32, #tpu.memory_space<hbm>>
      %dma_start3A_133 = tpu.memref_squeeze %dma_start3A_132 : memref<1x1024xf32, #tpu.memory_space<hbm>> -> memref<1024xf32, #tpu.memory_space<hbm>>
      %dma_start3A_134 = arith.constant 0 : i32
      %dma_start3A_135 = tpu.memref_slice %arg6[%squeeze3A_121, %dma_start3A_134] : memref<50x1024xf32, #tpu.memory_space<vmem>> -> memref<1x1024xf32, #tpu.memory_space<vmem>>
      %dma_start3A_136 = tpu.memref_squeeze %dma_start3A_135 : memref<1x1024xf32, #tpu.memory_space<vmem>> -> memref<1024xf32, #tpu.memory_space<vmem>>
      tpu.enqueue_dma source(%dma_start3A_136 : memref<1024xf32, #tpu.memory_space<vmem>>) target(%dma_start3A_133 : memref<1024xf32, #tpu.memory_space<hbm>>) target_semaphore(%arg7 : memref<!tpu.dma_semaphore, #tpu.memory_space<semaphore_mem>>)
      %slice3A_137 = vector.extract_strided_slice %get3A_20 {offsets = [7], sizes = [1], strides = [1]} : vector<16xi32> to vector<1xi32>
      %squeeze3A_138 = vector.extract %slice3A_137[0] : i32 from vector<1xi32>
      %add3A_139 = arith.addi %mul3A_2, %mul3A_18 : i32
      %add3A_140 = arith.constant 7 : i32
      %add3A_141 = arith.addi %add3A_139, %add3A_140 : i32
      %dma_start3A_142 = arith.constant 0 : i32
      %dma_start3A_143 = tpu.memref_slice %arg6[%squeeze3A_138, %dma_start3A_142] : memref<50x1024xf32, #tpu.memory_space<vmem>> -> memref<1x1024xf32, #tpu.memory_space<vmem>>
      %dma_start3A_144 = tpu.memref_squeeze %dma_start3A_143 : memref<1x1024xf32, #tpu.memory_space<vmem>> -> memref<1024xf32, #tpu.memory_space<vmem>>
      %dma_start3A_145 = arith.constant 0 : i32
      %dma_start3A_146 = tpu.memref_slice %arg4[%add3A_141, %dma_start3A_145] : memref<32768x1024xf32, #tpu.memory_space<hbm>> -> memref<1x1024xf32, #tpu.memory_space<hbm>>
      %dma_start3A_147 = tpu.memref_squeeze %dma_start3A_146 : memref<1x1024xf32, #tpu.memory_space<hbm>> -> memref<1024xf32, #tpu.memory_space<hbm>>
      %dma_start3A_148 = arith.constant 0 : i32
      %dma_start3A_149 = tpu.memref_slice %arg4[%add3A_141, %dma_start3A_148] : memref<32768x1024xf32, #tpu.memory_space<hbm>> -> memref<1x1024xf32, #tpu.memory_space<hbm>>
      %dma_start3A_150 = tpu.memref_squeeze %dma_start3A_149 : memref<1x1024xf32, #tpu.memory_space<hbm>> -> memref<1024xf32, #tpu.memory_space<hbm>>
      %dma_start3A_151 = arith.constant 0 : i32
      %dma_start3A_152 = tpu.memref_slice %arg6[%squeeze3A_138, %dma_start3A_151] : memref<50x1024xf32, #tpu.memory_space<vmem>> -> memref<1x1024xf32, #tpu.memory_space<vmem>>
      %dma_start3A_153 = tpu.memref_squeeze %dma_start3A_152 : memref<1x1024xf32, #tpu.memory_space<vmem>> -> memref<1024xf32, #tpu.memory_space<vmem>>
      tpu.enqueue_dma source(%dma_start3A_153 : memref<1024xf32, #tpu.memory_space<vmem>>) target(%dma_start3A_150 : memref<1024xf32, #tpu.memory_space<hbm>>) target_semaphore(%arg7 : memref<!tpu.dma_semaphore, #tpu.memory_space<semaphore_mem>>)
      %slice3A_154 = vector.extract_strided_slice %get3A_20 {offsets = [8], sizes = [1], strides = [1]} : vector<16xi32> to vector<1xi32>
      %squeeze3A_155 = vector.extract %slice3A_154[0] : i32 from vector<1xi32>
      %add3A_156 = arith.addi %mul3A_2, %mul3A_18 : i32
      %add3A_157 = arith.constant 8 : i32
      %add3A_158 = arith.addi %add3A_156, %add3A_157 : i32
      %dma_start3A_159 = arith.constant 0 : i32
      %dma_start3A_160 = tpu.memref_slice %arg6[%squeeze3A_155, %dma_start3A_159] : memref<50x1024xf32, #tpu.memory_space<vmem>> -> memref<1x1024xf32, #tpu.memory_space<vmem>>
      %dma_start3A_161 = tpu.memref_squeeze %dma_start3A_160 : memref<1x1024xf32, #tpu.memory_space<vmem>> -> memref<1024xf32, #tpu.memory_space<vmem>>
      %dma_start3A_162 = arith.constant 0 : i32
      %dma_start3A_163 = tpu.memref_slice %arg4[%add3A_158, %dma_start3A_162] : memref<32768x1024xf32, #tpu.memory_space<hbm>> -> memref<1x1024xf32, #tpu.memory_space<hbm>>
      %dma_start3A_164 = tpu.memref_squeeze %dma_start3A_163 : memref<1x1024xf32, #tpu.memory_space<hbm>> -> memref<1024xf32, #tpu.memory_space<hbm>>
      %dma_start3A_165 = arith.constant 0 : i32
      %dma_start3A_166 = tpu.memref_slice %arg4[%add3A_158, %dma_start3A_165] : memref<32768x1024xf32, #tpu.memory_space<hbm>> -> memref<1x1024xf32, #tpu.memory_space<hbm>>
      %dma_start3A_167 = tpu.memref_squeeze %dma_start3A_166 : memref<1x1024xf32, #tpu.memory_space<hbm>> -> memref<1024xf32, #tpu.memory_space<hbm>>
      %dma_start3A_168 = arith.constant 0 : i32
      %dma_start3A_169 = tpu.memref_slice %arg6[%squeeze3A_155, %dma_start3A_168] : memref<50x1024xf32, #tpu.memory_space<vmem>> -> memref<1x1024xf32, #tpu.memory_space<vmem>>
      %dma_start3A_170 = tpu.memref_squeeze %dma_start3A_169 : memref<1x1024xf32, #tpu.memory_space<vmem>> -> memref<1024xf32, #tpu.memory_space<vmem>>
      tpu.enqueue_dma source(%dma_start3A_170 : memref<1024xf32, #tpu.memory_space<vmem>>) target(%dma_start3A_167 : memref<1024xf32, #tpu.memory_space<hbm>>) target_semaphore(%arg7 : memref<!tpu.dma_semaphore, #tpu.memory_space<semaphore_mem>>)
      %slice3A_171 = vector.extract_strided_slice %get3A_20 {offsets = [9], sizes = [1], strides = [1]} : vector<16xi32> to vector<1xi32>
      %squeeze3A_172 = vector.extract %slice3A_171[0] : i32 from vector<1xi32>
      %add3A_173 = arith.addi %mul3A_2, %mul3A_18 : i32
      %add3A_174 = arith.constant 9 : i32
      %add3A_175 = arith.addi %add3A_173, %add3A_174 : i32
      %dma_start3A_176 = arith.constant 0 : i32
      %dma_start3A_177 = tpu.memref_slice %arg6[%squeeze3A_172, %dma_start3A_176] : memref<50x1024xf32, #tpu.memory_space<vmem>> -> memref<1x1024xf32, #tpu.memory_space<vmem>>
      %dma_start3A_178 = tpu.memref_squeeze %dma_start3A_177 : memref<1x1024xf32, #tpu.memory_space<vmem>> -> memref<1024xf32, #tpu.memory_space<vmem>>
      %dma_start3A_179 = arith.constant 0 : i32
      %dma_start3A_180 = tpu.memref_slice %arg4[%add3A_175, %dma_start3A_179] : memref<32768x1024xf32, #tpu.memory_space<hbm>> -> memref<1x1024xf32, #tpu.memory_space<hbm>>
      %dma_start3A_181 = tpu.memref_squeeze %dma_start3A_180 : memref<1x1024xf32, #tpu.memory_space<hbm>> -> memref<1024xf32, #tpu.memory_space<hbm>>
      %dma_start3A_182 = arith.constant 0 : i32
      %dma_start3A_183 = tpu.memref_slice %arg4[%add3A_175, %dma_start3A_182] : memref<32768x1024xf32, #tpu.memory_space<hbm>> -> memref<1x1024xf32, #tpu.memory_space<hbm>>
      %dma_start3A_184 = tpu.memref_squeeze %dma_start3A_183 : memref<1x1024xf32, #tpu.memory_space<hbm>> -> memref<1024xf32, #tpu.memory_space<hbm>>
      %dma_start3A_185 = arith.constant 0 : i32
      %dma_start3A_186 = tpu.memref_slice %arg6[%squeeze3A_172, %dma_start3A_185] : memref<50x1024xf32, #tpu.memory_space<vmem>> -> memref<1x1024xf32, #tpu.memory_space<vmem>>
      %dma_start3A_187 = tpu.memref_squeeze %dma_start3A_186 : memref<1x1024xf32, #tpu.memory_space<vmem>> -> memref<1024xf32, #tpu.memory_space<vmem>>
      tpu.enqueue_dma source(%dma_start3A_187 : memref<1024xf32, #tpu.memory_space<vmem>>) target(%dma_start3A_184 : memref<1024xf32, #tpu.memory_space<hbm>>) target_semaphore(%arg7 : memref<!tpu.dma_semaphore, #tpu.memory_space<semaphore_mem>>)
      %slice3A_188 = vector.extract_strided_slice %get3A_20 {offsets = [10], sizes = [1], strides = [1]} : vector<16xi32> to vector<1xi32>
      %squeeze3A_189 = vector.extract %slice3A_188[0] : i32 from vector<1xi32>
      %add3A_190 = arith.addi %mul3A_2, %mul3A_18 : i32
      %add3A_191 = arith.constant 10 : i32
      %add3A_192 = arith.addi %add3A_190, %add3A_191 : i32
      %dma_start3A_193 = arith.constant 0 : i32
      %dma_start3A_194 = tpu.memref_slice %arg6[%squeeze3A_189, %dma_start3A_193] : memref<50x1024xf32, #tpu.memory_space<vmem>> -> memref<1x1024xf32, #tpu.memory_space<vmem>>
      %dma_start3A_195 = tpu.memref_squeeze %dma_start3A_194 : memref<1x1024xf32, #tpu.memory_space<vmem>> -> memref<1024xf32, #tpu.memory_space<vmem>>
      %dma_start3A_196 = arith.constant 0 : i32
      %dma_start3A_197 = tpu.memref_slice %arg4[%add3A_192, %dma_start3A_196] : memref<32768x1024xf32, #tpu.memory_space<hbm>> -> memref<1x1024xf32, #tpu.memory_space<hbm>>
      %dma_start3A_198 = tpu.memref_squeeze %dma_start3A_197 : memref<1x1024xf32, #tpu.memory_space<hbm>> -> memref<1024xf32, #tpu.memory_space<hbm>>
      %dma_start3A_199 = arith.constant 0 : i32
      %dma_start3A_200 = tpu.memref_slice %arg4[%add3A_192, %dma_start3A_199] : memref<32768x1024xf32, #tpu.memory_space<hbm>> -> memref<1x1024xf32, #tpu.memory_space<hbm>>
      %dma_start3A_201 = tpu.memref_squeeze %dma_start3A_200 : memref<1x1024xf32, #tpu.memory_space<hbm>> -> memref<1024xf32, #tpu.memory_space<hbm>>
      %dma_start3A_202 = arith.constant 0 : i32
      %dma_start3A_203 = tpu.memref_slice %arg6[%squeeze3A_189, %dma_start3A_202] : memref<50x1024xf32, #tpu.memory_space<vmem>> -> memref<1x1024xf32, #tpu.memory_space<vmem>>
      %dma_start3A_204 = tpu.memref_squeeze %dma_start3A_203 : memref<1x1024xf32, #tpu.memory_space<vmem>> -> memref<1024xf32, #tpu.memory_space<vmem>>
      tpu.enqueue_dma source(%dma_start3A_204 : memref<1024xf32, #tpu.memory_space<vmem>>) target(%dma_start3A_201 : memref<1024xf32, #tpu.memory_space<hbm>>) target_semaphore(%arg7 : memref<!tpu.dma_semaphore, #tpu.memory_space<semaphore_mem>>)
      %slice3A_205 = vector.extract_strided_slice %get3A_20 {offsets = [11], sizes = [1], strides = [1]} : vector<16xi32> to vector<1xi32>
      %squeeze3A_206 = vector.extract %slice3A_205[0] : i32 from vector<1xi32>
      %add3A_207 = arith.addi %mul3A_2, %mul3A_18 : i32
      %add3A_208 = arith.constant 11 : i32
      %add3A_209 = arith.addi %add3A_207, %add3A_208 : i32
      %dma_start3A_210 = arith.constant 0 : i32
      %dma_start3A_211 = tpu.memref_slice %arg6[%squeeze3A_206, %dma_start3A_210] : memref<50x1024xf32, #tpu.memory_space<vmem>> -> memref<1x1024xf32, #tpu.memory_space<vmem>>
      %dma_start3A_212 = tpu.memref_squeeze %dma_start3A_211 : memref<1x1024xf32, #tpu.memory_space<vmem>> -> memref<1024xf32, #tpu.memory_space<vmem>>
      %dma_start3A_213 = arith.constant 0 : i32
      %dma_start3A_214 = tpu.memref_slice %arg4[%add3A_209, %dma_start3A_213] : memref<32768x1024xf32, #tpu.memory_space<hbm>> -> memref<1x1024xf32, #tpu.memory_space<hbm>>
      %dma_start3A_215 = tpu.memref_squeeze %dma_start3A_214 : memref<1x1024xf32, #tpu.memory_space<hbm>> -> memref<1024xf32, #tpu.memory_space<hbm>>
      %dma_start3A_216 = arith.constant 0 : i32
      %dma_start3A_217 = tpu.memref_slice %arg4[%add3A_209, %dma_start3A_216] : memref<32768x1024xf32, #tpu.memory_space<hbm>> -> memref<1x1024xf32, #tpu.memory_space<hbm>>
      %dma_start3A_218 = tpu.memref_squeeze %dma_start3A_217 : memref<1x1024xf32, #tpu.memory_space<hbm>> -> memref<1024xf32, #tpu.memory_space<hbm>>
      %dma_start3A_219 = arith.constant 0 : i32
      %dma_start3A_220 = tpu.memref_slice %arg6[%squeeze3A_206, %dma_start3A_219] : memref<50x1024xf32, #tpu.memory_space<vmem>> -> memref<1x1024xf32, #tpu.memory_space<vmem>>
      %dma_start3A_221 = tpu.memref_squeeze %dma_start3A_220 : memref<1x1024xf32, #tpu.memory_space<vmem>> -> memref<1024xf32, #tpu.memory_space<vmem>>
      tpu.enqueue_dma source(%dma_start3A_221 : memref<1024xf32, #tpu.memory_space<vmem>>) target(%dma_start3A_218 : memref<1024xf32, #tpu.memory_space<hbm>>) target_semaphore(%arg7 : memref<!tpu.dma_semaphore, #tpu.memory_space<semaphore_mem>>)
      %slice3A_222 = vector.extract_strided_slice %get3A_20 {offsets = [12], sizes = [1], strides = [1]} : vector<16xi32> to vector<1xi32>
      %squeeze3A_223 = vector.extract %slice3A_222[0] : i32 from vector<1xi32>
      %add3A_224 = arith.addi %mul3A_2, %mul3A_18 : i32
      %add3A_225 = arith.constant 12 : i32
      %add3A_226 = arith.addi %add3A_224, %add3A_225 : i32
      %dma_start3A_227 = arith.constant 0 : i32
      %dma_start3A_228 = tpu.memref_slice %arg6[%squeeze3A_223, %dma_start3A_227] : memref<50x1024xf32, #tpu.memory_space<vmem>> -> memref<1x1024xf32, #tpu.memory_space<vmem>>
      %dma_start3A_229 = tpu.memref_squeeze %dma_start3A_228 : memref<1x1024xf32, #tpu.memory_space<vmem>> -> memref<1024xf32, #tpu.memory_space<vmem>>
      %dma_start3A_230 = arith.constant 0 : i32
      %dma_start3A_231 = tpu.memref_slice %arg4[%add3A_226, %dma_start3A_230] : memref<32768x1024xf32, #tpu.memory_space<hbm>> -> memref<1x1024xf32, #tpu.memory_space<hbm>>
      %dma_start3A_232 = tpu.memref_squeeze %dma_start3A_231 : memref<1x1024xf32, #tpu.memory_space<hbm>> -> memref<1024xf32, #tpu.memory_space<hbm>>
      %dma_start3A_233 = arith.constant 0 : i32
      %dma_start3A_234 = tpu.memref_slice %arg4[%add3A_226, %dma_start3A_233] : memref<32768x1024xf32, #tpu.memory_space<hbm>> -> memref<1x1024xf32, #tpu.memory_space<hbm>>
      %dma_start3A_235 = tpu.memref_squeeze %dma_start3A_234 : memref<1x1024xf32, #tpu.memory_space<hbm>> -> memref<1024xf32, #tpu.memory_space<hbm>>
      %dma_start3A_236 = arith.constant 0 : i32
      %dma_start3A_237 = tpu.memref_slice %arg6[%squeeze3A_223, %dma_start3A_236] : memref<50x1024xf32, #tpu.memory_space<vmem>> -> memref<1x1024xf32, #tpu.memory_space<vmem>>
      %dma_start3A_238 = tpu.memref_squeeze %dma_start3A_237 : memref<1x1024xf32, #tpu.memory_space<vmem>> -> memref<1024xf32, #tpu.memory_space<vmem>>
      tpu.enqueue_dma source(%dma_start3A_238 : memref<1024xf32, #tpu.memory_space<vmem>>) target(%dma_start3A_235 : memref<1024xf32, #tpu.memory_space<hbm>>) target_semaphore(%arg7 : memref<!tpu.dma_semaphore, #tpu.memory_space<semaphore_mem>>)
      %slice3A_239 = vector.extract_strided_slice %get3A_20 {offsets = [13], sizes = [1], strides = [1]} : vector<16xi32> to vector<1xi32>
      %squeeze3A_240 = vector.extract %slice3A_239[0] : i32 from vector<1xi32>
      %add3A_241 = arith.addi %mul3A_2, %mul3A_18 : i32
      %add3A_242 = arith.constant 13 : i32
      %add3A_243 = arith.addi %add3A_241, %add3A_242 : i32
      %dma_start3A_244 = arith.constant 0 : i32
      %dma_start3A_245 = tpu.memref_slice %arg6[%squeeze3A_240, %dma_start3A_244] : memref<50x1024xf32, #tpu.memory_space<vmem>> -> memref<1x1024xf32, #tpu.memory_space<vmem>>
      %dma_start3A_246 = tpu.memref_squeeze %dma_start3A_245 : memref<1x1024xf32, #tpu.memory_space<vmem>> -> memref<1024xf32, #tpu.memory_space<vmem>>
      %dma_start3A_247 = arith.constant 0 : i32
      %dma_start3A_248 = tpu.memref_slice %arg4[%add3A_243, %dma_start3A_247] : memref<32768x1024xf32, #tpu.memory_space<hbm>> -> memref<1x1024xf32, #tpu.memory_space<hbm>>
      %dma_start3A_249 = tpu.memref_squeeze %dma_start3A_248 : memref<1x1024xf32, #tpu.memory_space<hbm>> -> memref<1024xf32, #tpu.memory_space<hbm>>
      %dma_start3A_250 = arith.constant 0 : i32
      %dma_start3A_251 = tpu.memref_slice %arg4[%add3A_243, %dma_start3A_250] : memref<32768x1024xf32, #tpu.memory_space<hbm>> -> memref<1x1024xf32, #tpu.memory_space<hbm>>
      %dma_start3A_252 = tpu.memref_squeeze %dma_start3A_251 : memref<1x1024xf32, #tpu.memory_space<hbm>> -> memref<1024xf32, #tpu.memory_space<hbm>>
      %dma_start3A_253 = arith.constant 0 : i32
      %dma_start3A_254 = tpu.memref_slice %arg6[%squeeze3A_240, %dma_start3A_253] : memref<50x1024xf32, #tpu.memory_space<vmem>> -> memref<1x1024xf32, #tpu.memory_space<vmem>>
      %dma_start3A_255 = tpu.memref_squeeze %dma_start3A_254 : memref<1x1024xf32, #tpu.memory_space<vmem>> -> memref<1024xf32, #tpu.memory_space<vmem>>
      tpu.enqueue_dma source(%dma_start3A_255 : memref<1024xf32, #tpu.memory_space<vmem>>) target(%dma_start3A_252 : memref<1024xf32, #tpu.memory_space<hbm>>) target_semaphore(%arg7 : memref<!tpu.dma_semaphore, #tpu.memory_space<semaphore_mem>>)
      %slice3A_256 = vector.extract_strided_slice %get3A_20 {offsets = [14], sizes = [1], strides = [1]} : vector<16xi32> to vector<1xi32>
      %squeeze3A_257 = vector.extract %slice3A_256[0] : i32 from vector<1xi32>
      %add3A_258 = arith.addi %mul3A_2, %mul3A_18 : i32
      %add3A_259 = arith.constant 14 : i32
      %add3A_260 = arith.addi %add3A_258, %add3A_259 : i32
      %dma_start3A_261 = arith.constant 0 : i32
      %dma_start3A_262 = tpu.memref_slice %arg6[%squeeze3A_257, %dma_start3A_261] : memref<50x1024xf32, #tpu.memory_space<vmem>> -> memref<1x1024xf32, #tpu.memory_space<vmem>>
      %dma_start3A_263 = tpu.memref_squeeze %dma_start3A_262 : memref<1x1024xf32, #tpu.memory_space<vmem>> -> memref<1024xf32, #tpu.memory_space<vmem>>
      %dma_start3A_264 = arith.constant 0 : i32
      %dma_start3A_265 = tpu.memref_slice %arg4[%add3A_260, %dma_start3A_264] : memref<32768x1024xf32, #tpu.memory_space<hbm>> -> memref<1x1024xf32, #tpu.memory_space<hbm>>
      %dma_start3A_266 = tpu.memref_squeeze %dma_start3A_265 : memref<1x1024xf32, #tpu.memory_space<hbm>> -> memref<1024xf32, #tpu.memory_space<hbm>>
      %dma_start3A_267 = arith.constant 0 : i32
      %dma_start3A_268 = tpu.memref_slice %arg4[%add3A_260, %dma_start3A_267] : memref<32768x1024xf32, #tpu.memory_space<hbm>> -> memref<1x1024xf32, #tpu.memory_space<hbm>>
      %dma_start3A_269 = tpu.memref_squeeze %dma_start3A_268 : memref<1x1024xf32, #tpu.memory_space<hbm>> -> memref<1024xf32, #tpu.memory_space<hbm>>
      %dma_start3A_270 = arith.constant 0 : i32
      %dma_start3A_271 = tpu.memref_slice %arg6[%squeeze3A_257, %dma_start3A_270] : memref<50x1024xf32, #tpu.memory_space<vmem>> -> memref<1x1024xf32, #tpu.memory_space<vmem>>
      %dma_start3A_272 = tpu.memref_squeeze %dma_start3A_271 : memref<1x1024xf32, #tpu.memory_space<vmem>> -> memref<1024xf32, #tpu.memory_space<vmem>>
      tpu.enqueue_dma source(%dma_start3A_272 : memref<1024xf32, #tpu.memory_space<vmem>>) target(%dma_start3A_269 : memref<1024xf32, #tpu.memory_space<hbm>>) target_semaphore(%arg7 : memref<!tpu.dma_semaphore, #tpu.memory_space<semaphore_mem>>)
      %slice3A_273 = vector.extract_strided_slice %get3A_20 {offsets = [15], sizes = [1], strides = [1]} : vector<16xi32> to vector<1xi32>
      %squeeze3A_274 = vector.extract %slice3A_273[0] : i32 from vector<1xi32>
      %add3A_275 = arith.addi %mul3A_2, %mul3A_18 : i32
      %add3A_276 = arith.constant 15 : i32
      %add3A_277 = arith.addi %add3A_275, %add3A_276 : i32
      %dma_start3A_278 = arith.constant 0 : i32
      %dma_start3A_279 = tpu.memref_slice %arg6[%squeeze3A_274, %dma_start3A_278] : memref<50x1024xf32, #tpu.memory_space<vmem>> -> memref<1x1024xf32, #tpu.memory_space<vmem>>
      %dma_start3A_280 = tpu.memref_squeeze %dma_start3A_279 : memref<1x1024xf32, #tpu.memory_space<vmem>> -> memref<1024xf32, #tpu.memory_space<vmem>>
      %dma_start3A_281 = arith.constant 0 : i32
      %dma_start3A_282 = tpu.memref_slice %arg4[%add3A_277, %dma_start3A_281] : memref<32768x1024xf32, #tpu.memory_space<hbm>> -> memref<1x1024xf32, #tpu.memory_space<hbm>>
      %dma_start3A_283 = tpu.memref_squeeze %dma_start3A_282 : memref<1x1024xf32, #tpu.memory_space<hbm>> -> memref<1024xf32, #tpu.memory_space<hbm>>
      %dma_start3A_284 = arith.constant 0 : i32
      %dma_start3A_285 = tpu.memref_slice %arg4[%add3A_277, %dma_start3A_284] : memref<32768x1024xf32, #tpu.memory_space<hbm>> -> memref<1x1024xf32, #tpu.memory_space<hbm>>
      %dma_start3A_286 = tpu.memref_squeeze %dma_start3A_285 : memref<1x1024xf32, #tpu.memory_space<hbm>> -> memref<1024xf32, #tpu.memory_space<hbm>>
      %dma_start3A_287 = arith.constant 0 : i32
      %dma_start3A_288 = tpu.memref_slice %arg6[%squeeze3A_274, %dma_start3A_287] : memref<50x1024xf32, #tpu.memory_space<vmem>> -> memref<1x1024xf32, #tpu.memory_space<vmem>>
      %dma_start3A_289 = tpu.memref_squeeze %dma_start3A_288 : memref<1x1024xf32, #tpu.memory_space<vmem>> -> memref<1024xf32, #tpu.memory_space<vmem>>
      tpu.enqueue_dma source(%dma_start3A_289 : memref<1024xf32, #tpu.memory_space<vmem>>) target(%dma_start3A_286 : memref<1024xf32, #tpu.memory_space<hbm>>) target_semaphore(%arg7 : memref<!tpu.dma_semaphore, #tpu.memory_space<semaphore_mem>>)
    }
    %scan3A_6 = arith.constant 64 : i32
    %scan3A_7 = arith.constant 0 : i32
    %scan3A_8 = arith.constant 64 : i32
    %scan3A_9 = arith.addi %scan3A_7, %scan3A_8 : i32
    %scan3A_10 = arith.constant 1 : i32
    scf.for %scan3A_12 = %scan3A_7 to %scan3A_9 step %scan3A_10  : i32 {
      %mul3A_13 = arith.constant 1 : i32
      %mul3A_14 = arith.muli %scan3A_12, %mul3A_13 : i32
      %add3A_15 = arith.constant 0 : i32
      %add3A_16 = arith.addi %add3A_15, %mul3A_14 : i32
      %dma_wait3A = arith.constant 0 : i32
      %dma_wait3A_17 = arith.constant 0 : i32
      %dma_wait3A_18 = tpu.memref_slice %arg6[%dma_wait3A, %dma_wait3A_17] : memref<50x1024xf32, #tpu.memory_space<vmem>> -> memref<16x1024xf32, #tpu.memory_space<vmem>>
      %dma_wait3A_19 = arith.constant 0 : i32
      %dma_wait3A_20 = tpu.memref_slice %arg4[%mul3A_2, %dma_wait3A_19] : memref<32768x1024xf32, #tpu.memory_space<hbm>> -> memref<16x1024xf32, #tpu.memory_space<hbm>>
      %dma_wait3A_21 = arith.constant 0 : i32
      %dma_wait3A_22 = tpu.memref_slice %arg4[%mul3A_2, %dma_wait3A_21] : memref<32768x1024xf32, #tpu.memory_space<hbm>> -> memref<16x1024xf32, #tpu.memory_space<hbm>>
      %dma_wait3A_23 = arith.constant 0 : i32
      %dma_wait3A_24 = arith.constant 0 : i32
      %dma_wait3A_25 = tpu.memref_slice %arg6[%dma_wait3A_23, %dma_wait3A_24] : memref<50x1024xf32, #tpu.memory_space<vmem>> -> memref<16x1024xf32, #tpu.memory_space<vmem>>
      tpu.wait_dma2 semaphore(%arg7 : memref<!tpu.dma_semaphore, #tpu.memory_space<semaphore_mem>>) src(%dma_wait3A_25 : memref<16x1024xf32, #tpu.memory_space<vmem>>) dst(%dma_wait3A_22 : memref<16x1024xf32, #tpu.memory_space<hbm>>)
    }
    %scan3A_11 = arith.constant 64 : i32
    return
  }
}

</mosaic_0001>

<sc_bundles>
// kernel: kernel.3.cloned.1.call-start
scs
__scs_entry_jumppad:
0x0: {  	(pc) =	sbr.rel $0x88, $3  }
0x1: {  	(tag) =	ssettag $0x0;
	lr =	simm.s32 $0x1  }
0x2: {  	[smem:$0x3F9F] =	sst lr;
	_ =	strace $0xD0000000  }
0x3: {  	_ = 	snop  }
0x4: {  	_ = 	snop  }
0x5: {  	_ = 	snop  }
0x6: {  	_ = 	snop  }
0x7: {  	_ = 	snop  }
__scs_overlays_trampoline_lowered:
0x8: {  	[smem:$0x3FAE] =	sst s0  }
0x9: {  	[smem:$0x3FAF] =	sst s1  }
0xa: {  	[smem:$0x3FB0] =	sst s2  }
0xb: {  	[smem:$0x3FB1] =	sst s3  }
0xc: {  	[smem:$0x3FB2] =	sst s4  }
0xd: {  	[smem:$0x3FB3] =	sst s5  }
0xe: {  	[smem:$0x3FB4] =	sst s6  }
0xf: {  	[smem:$0x3FB5] =	sst s7  }
0x10: {  	[smem:$0x3FB6] =	sst s8  }
0x11: {  	[smem:$0x3FB7] =	sst s9;
	s0 =	simm.s32 @!p0 $0x0  }
0x12: {  	s1 =	sld [smem:$0x3F9D];
	s0 =	simm.s32 @p0 $0x1  }
0x13: {  	[smem:$0x3FB8] =	sst s0;
	s0 =	simm.s32 @!p1 $0x0  }
0x14: {  	s2 =	sld [smem:$0x3F9C];
	s0 =	simm.s32 @p1 $0x1  }
0x15: {  	[smem:$0x3FB9] =	sst s0;
	s0 =	simm.s32 @!p2 $0x0  }
0x16: {  	s3 =	sld [smem:$0x3FDB];
	s0 =	simm.s32 @p2 $0x1  }
0x17: {  	s4 =	simm.s32 $0x1BF5;
	[smem:$0x3FBB] =	sst s0  }
0x18: {  	s0 =	sld [smem:$0x3F9E];
	_ =	swait.ge [sflag:s4], $0x0  }
0x19: {  	s7 =	sld [smem:$0x3F9F]  }
0x1a: {  	s8 =	sadd.s32 $0xFFFFE003, lr  }
0x1b: {  	s9 =	sadd.s32 $0xFFFFFEF7, lr;
	s5 =	simm.s32 $0xFFFFFFFF;
	p2 =	slt.u32 s8, $0xFFFFF086  }
0x1c: {  	p1 =	slt.u32 s9, $0xF7A;
	s5 =	simm.s32 @!p2 $0x0  }
0x1d: {  	s5 =	simm.s32 @p1 $0x1;
	p0 =	seq.s32 s7, s2  }
0x1e: {  	s7 =	smul.u32 @!p0 $0xF7A, s2;
	p2 =	seq.s32 @!p0 s5, $0x0  }
0x1f: {  	s9 =	smul.u32 $0xF7A, s1;
	s8 =	simm.s32 @!p0 $0x1BF5;
	p2 =	por !p2, p0  }
0x20: {  	[sflag:s8] =	ssyncset.s32 @!p0 $0xFFFFF086;
	s6 =	sadd.s32 @!p0 s3, s7;
	s7 =	simm.s32 @!p0 $0x108  }
0x21: {  	s3 =	sadd.s32 s3, s9;
	s6 =	sadd.s32 @!p0 $0x88, s6;
	s7 =	simm.s32 @p2 $0x1082  }
0x22: {  	[simem:s7], [sflag:s8] =	dma.local @!p0 [hbm:s6], $0xF7A  }
0x23: {  	s9 =	sor.u32 $0xD0000000, s2;
	s6 =	simm.s32 $0x108;
	_ =	swait.ge @!p0 [sflag:s8], $0x0  }
0x24: {  	s3 =	sadd.s32 $0x88, s3;
	s6 =	simm.s32 @!p1 $0x1082;
	[sflag:s4] =	ssyncset.s32 $0xFFFFF086  }
0x25: {  	[simem:s6], [sflag:s4] =	dma.local [hbm:s3], $0xF7A  }
0x26: {  	[smem:$0x3F9F] =	sst s1;
	(tag) =	ssettag s2;
	_ =	strace s9  }
0x27: {  	s1 =	sld [smem:$0x3FAF]  }
0x28: {  	s2 =	sld [smem:$0x3FB0]  }
0x29: {  	s4 =	sld [smem:$0x3FB2]  }
0x2a: {  	p0 =	seq.s32 s5, $0x0;
	s5 =	sld [smem:$0x3FB3]  }
0x2b: {  	s6 =	sld [smem:$0x3FB4]  }
0x2c: {  	s7 =	sld [smem:$0x3FB5]  }
0x2d: {  	s3 =	simm.s32 $0x108;
	s8 =	sld [smem:$0x3FB6]  }
0x2e: {  	s3 =	simm.s32 @!p0 $0x1082;
	s9 =	sld [smem:$0x3FB7]  }
0x2f: {  	lr =	sadd.s32 s0, s3;
	s0 =	sld [smem:$0x3FAE]  }
0x30: {  	s3 =	sld [smem:$0x3FB1]  }
0x31: {  	[smem:$0x3FBA] =	sst s10  }
0x32: {  	s10 =	sld [smem:$0x3FB8];
	_ =	sdelay $0x3  }
0x33: {  	p0 =	seq.s32 s10, $0x1;
	s10 =	sld [smem:$0x3FBA];
	_ =	sdelay $0x3  }
0x34: {  	[smem:$0x3FBA] =	sst s10  }
0x35: {  	s10 =	sld [smem:$0x3FB9];
	_ =	sdelay $0x3  }
0x36: {  	p1 =	seq.s32 s10, $0x1;
	s10 =	sld [smem:$0x3FBA];
	_ =	sdelay $0x3  }
0x37: {  	[smem:$0x3FBA] =	sst s10  }
0x38: {  	s10 =	sld [smem:$0x3FBB]  }
0x39: {  	_ = 	snop;
	(pc) =	sbr.ind lr, $3  }
0x3a: {  	_ = 	snop  }
0x3b: {  	_ = 	snop  }
0x3c: {  	p2 =	seq.s32 s10, $0x1;
	s10 =	sld [smem:$0x3FBA]  }
0x3d: {  	_ =	shalt  }
0x3e: {  	_ =	shalt  }
0x3f: {  	_ =	shalt  }
0x40: {  	_ =	shalt  }
0x41: {  	_ =	shalt  }
0x42: {  	_ =	shalt  }
0x43: {  	_ =	shalt  }
0x44: {  	_ =	shalt  }
0x45: {  	_ =	shalt  }
0x46: {  	_ =	shalt  }
0x47: {  	_ =	shalt  }
0x48: {  	_ =	shalt  }
0x49: {  	_ =	shalt  }
0x4a: {  	_ =	shalt  }
0x4b: {  	_ =	shalt  }
0x4c: {  	_ =	shalt  }
0x4d: {  	_ =	shalt  }
0x4e: {  	_ =	shalt  }
0x4f: {  	_ =	shalt  }
0x50: {  	_ =	shalt  }
0x51: {  	_ =	shalt  }
0x52: {  	_ =	shalt  }
0x53: {  	_ =	shalt  }
0x54: {  	_ =	shalt  }
0x55: {  	_ =	shalt  }
0x56: {  	_ =	shalt  }
0x57: {  	_ =	shalt  }
0x58: {  	_ =	shalt  }
0x59: {  	_ =	shalt  }
0x5a: {  	_ =	shalt  }
0x5b: {  	_ =	shalt  }
0x5c: {  	_ =	shalt  }
0x5d: {  	_ =	shalt  }
0x5e: {  	_ =	shalt  }
0x5f: {  	_ =	shalt  }
0x60: {  	_ =	shalt  }
0x61: {  	_ =	shalt  }
0x62: {  	_ =	shalt  }
0x63: {  	_ =	shalt  }
0x64: {  	_ =	shalt  }
0x65: {  	_ =	shalt  }
0x66: {  	_ =	shalt  }
0x67: {  	_ =	shalt  }
0x68: {  	_ =	shalt  }
0x69: {  	_ =	shalt  }
0x6a: {  	_ =	shalt  }
0x6b: {  	_ =	shalt  }
0x6c: {  	_ =	shalt  }
0x6d: {  	_ =	shalt  }
0x6e: {  	_ =	shalt  }
0x6f: {  	_ =	shalt  }
0x70: {  	_ =	shalt  }
0x71: {  	_ =	shalt  }
0x72: {  	_ =	shalt  }
0x73: {  	_ =	shalt  }
0x74: {  	_ =	shalt  }
0x75: {  	_ =	shalt  }
0x76: {  	_ =	shalt  }
0x77: {  	_ =	shalt  }
0x78: {  	_ =	shalt  }
0x79: {  	_ =	shalt  }
0x7a: {  	_ =	shalt  }
0x7b: {  	_ =	shalt  }
0x7c: {  	_ =	shalt  }
0x7d: {  	_ =	shalt  }
0x7e: {  	_ =	shalt  }
0x7f: {  	_ =	shalt  }
0x80: {  	_ =	shalt  }
0x81: {  	_ =	shalt  }
0x82: {  	_ =	shalt  }
0x83: {  	_ =	shalt  }
0x84: {  	_ =	shalt  }
0x85: {  	_ =	shalt  }
0x86: {  	_ =	shalt  }
0x87: {  	_ =	shalt  }
.Lfunc_end0:
.L_simem_size_0:
called_computation_lowered:
.L_overlay_start_0:
0x88: {  	s2 =	sld [smem:$0x3FD9]  }
0x89: {  	s3 =	sld [smem:$0x3FFE];
	_ =	sdelay $0x1  }
0x8a: {  	s1 =	srdreg.scid  }
0x8b: {  	s0 =	sand.u32 $0x1, s1  }
0x8c: {  	s17 =	sshll.u32 s0, $0xA;
	s2 =	sadd.s32 s3, s2  }
0x8d: {  	s2 =	sadd.s32 s2, s17  }
0x8e: {  	[smem:$0x3FC6] =	sst s2  }
0x8f: {  	_ = 	snop  }
0x90: {  	s2 =	sld [smem:$0x3FC8]  }
0x91: {  	s18 =	sld [smem:$0x3FD0];
	(tm) =	ssettm $0x1  }
0x92: {  	s4 =	sld [smem:$0x3FFB];
	_ =	sdelay $0x3  }
0x93: {  	_ =	strace s4  }
0x94: {  	s4 =	sld [smem:$0x3FFC];
	_ =	sdelay $0x3  }
0x95: {  	_ =	strace s4  }
0x96: {  	s4 =	sld [smem:$0x3FFD];
	_ =	sdelay $0x3  }
0x97: {  	_ =	strace s4  }
0x98: {  	_ =	strace $0x8FFFFFFF  }
0x99: {  	s19 =	sld [smem:$0x3FDB];
	_ =	sdelay $0x1  }
0x9a: {  	s5 =	simm.s32 $_scs_section_size  }
0x9b: {  	s6 =	simm.s32 $_size__tile_overlayer_lowered;
	s7 =	simm.s32 $_tile_overlayer_lowered  }
0x9c: {  	s22 =	simm.s32 $0x1BFF;
	s21 =	sshll.u32 s7, $0x1;
	s4 =	sadd.s32 s5, s19  }
0x9d: {  	s8 =	simm.s32 $0x0;
	s20 =	sshll.u32 s6, $0x1;
	s6 =	sadd.s32 s21, s4  }
0x9e: {  	[timem:s8], [sflag:s22] =	dma.local [hbm:s6], s20  }
0x9f: {  	_ =	swait.ge [sflag:s22], s20  }
0xa0: {  	s5 =	ssub.s32 $0x0, s20;
	[sflag:s22] =	ssyncset.done $0x0  }
0xa1: {  	[sflag:s22] =	ssyncadd.s32 s5;
	_ =	sdelay $0x1  }
0xa2: {  	s23 =	simm.s32 $0x1B8B  }
0xa3: {  	_ =	swait.ge [sflag:s23], $0x1  }
0xa4: {  	[sflag:s23] =	ssyncset.done $0x0  }
0xa5: {  	s25 =	simm.s32 $0x1B8E;
	s24 =	sld [smem:$0x3FFE];
	[sflag:s23] =	ssyncadd.s32 $0xFFFFFFFF  }
0xa6: {  	s26 =	simm.s32 $execute0_lowered;
	[smem:$0x3FD2] =	sst s25  }
0xa7: {  	s6 =	sshll.u32 s26, $0x1;
	_ =	strace $0x80000046;
	[dreg:$0x1] =	wrdreg $0xFFFFFFFF  }
0xa8: {  	s28 =	simm.s32 $_size_execute0_lowered;
	s4 =	sadd.s32 s4, s6;
	[dreg:$0x0] =	wrdreg $0x0  }
0xa9: {  	s6 =	sshll.u32 s28, $0x1;
	[dreg:$0x2] =	wrdreg s4  }
0xaa: {  	[dreg:$0x3] =	wrdreg s6  }
0xab: {  	[dreg:$0x4] =	wrdreg $0xC0  }
0xac: {  	_ =	task [dreg:s8], $0x5FFFF  }
0xad: {  	[dreg:$0x1] =	wrdreg $0xFFFFFFFF  }
0xae: {  	[dreg:$0x0] =	wrdreg $0x60  }
0xaf: {  	[dreg:$0x2] =	wrdreg s2  }
0xb0: {  	[dreg:$0x3] =	wrdreg s24  }
0xb1: {  	[dreg:$0x4] =	wrdreg s18  }
0xb2: {  	[dreg:$0x5] =	wrdreg $0x9  }
0xb3: {  	_ =	task.clear_ibuf [dreg:s8], $0x6FFFF;
	_ =	strace $0x90000046  }
0xb4: {  	s29 =	simm.s32 $0x9;
	_ =	strace $0x80000048  }
0xb5: {  	_ =	swait.ge [sflag:s29], $0x1  }
0xb6: {  	[sflag:s29] =	ssyncadd.s32 $0xFFFFFFFF  }
0xb7: {  	_ =	strace $0x90000048  }
0xb8: {  	_ =	sfence  }
0xb9: {  	s30 =	sld [smem:$0x0];
	_ =	sdelay $0x2  }
0xba: {  	s31 =	sshll.u32 s1, $0xD;
	s1 =	sshrl.u32 s1, $0x2  }
0xbb: {  	s3 =	sand.u32 $0x4000, s31;
	s1 =	sadd.s32 s1, s30  }
0xbc: {  	s0 =	sor.u32 s3, s0;
	s1 =	sshll.u32 s1, $0x11  }
0xbd: {  	s0 =	sor.u32 s1, s0  }
0xbe: {  	s0 =	sadd.s32 $0x8F2B, s0  }
0xbf: {  	[sflag:s0] =	ssyncadd.remote.s32 $0x1  }
0xc0: {  	_ =	sfence.sel $0xFFFF  }
0xc1: {  	[dreg:$0x0] =	wrdreg $0xFFFFFFFF;
	(pc) =	sbr.abs _section_cstart, $3  }
0xc2: {  	[dreg:$0x1] =	wrdreg $0xFFFFFFFF  }
0xc3: {  	_ =	task.clear_ibuf [dreg:s8], $0x2FFFF;
	_ =	strace $0x9FFFFFFF  }
0xc4: {  	(tm) =	ssettm $0x7FFFFFFF  }
0xc5: {  	_ =	shalt  }
tec
execute0_lowered:
.L_overlay_start_1:
0x0: {  	(tag) =	ssettag $0x1  }
0x1: {  	s1 =	rddreg [dreg:$0x0]  }
0x2: {  	s4 =	rddreg [dreg:$0x1]  }
0x3: {  	s5 =	rddreg [dreg:$0x2]  }
0x4: {  	s3 =	srdreg.scid;
	s0 =	rddreg [dreg:$0x3]  }
0x5: {  	s2 =	stileid.u32;
	s6 =	sand.u32 $0x1, s3;
	s3 =	simm.s32 $0x0  }
0x6: {  	s7 =	sshll.u32 s2, $0xB;
	s31 =	sshll.u32 s2, $0x12;
	s8 =	sshll.u32 s6, $0xA  }
0x7: {  	[smem:$0x7FF] =	sst s3;
	s30 =	ssub.s32 $0x2, s6;
	s5 =	sadd.s32 s31, s5  }
0x8: {  	s6 =	sshll.u32 s6, $0x11;
	s7 =	sor.u32 s8, s7;
	_ =	strace $0x80000047  }
0x9: {  	s9 =	sshrl.u32 s30, $0x1;
	s6 =	sadd.s32 s6, s5;
	s8 =	simm.s32 $0x1  }
0xa: {  	s7 =	sshrl.u32 s7, $0x3;
	[dreg:$0x4] =	wrdreg s6;
	s6 =	simm.s32 $0x400  }
0xb: {  	s4 =	sadd.s32 s7, s4;
	s7 =	ssub.s32 s30, s9;
	s9 =	simm.s32 $0x0  }
0xc: {  	s4 =	sadd.s32 $0x400, s4;
	s5 =	smax.u32 s7, $0x1;
	s7 =	simm.s32 $0x2  }
.LBB2_1:
0xd: {  	[tilespmem:s6], [sflag:$0x2] =	stream.linear.gather [hbm4b:s1+s3], $0xE000, $0x38;
	[tilespmem:$0xE400] =	vst v63  }
0xe: {  	_ =	swait.ge [sflag:s7], $0xE000  }
0xf: {  	[sflag:s7] =	ssyncset.done $0x0  }
0x10: {  	[sflag:s7] =	ssyncadd.s32 $0xFFFF2000  }
0x11: {  	[tilespmem:s3], [sflag:$0x2] =	stream.linear.gather [hbm4b:s4+s3], $0x400, $0x38;
	[tilespmem:$0xE400] =	vst v63  }
0x12: {  	_ =	swait.ge [sflag:s7], $0x400  }
0x13: {  	[sflag:s7] =	ssyncset.done $0x0  }
0x14: {  	s10 =	simm.s32 $0x0;
	s11 =	simm.s32 $0x0;
	[sflag:s7] =	ssyncadd.s32 $0xFFFFFC00  }
.LBB2_2:
0x15: {  	v0 =	vld [tilespmem:s10+$0x0];
	_ =	sdelay $0x4  }
0x16: {  	(v2sf) =	vpush v0, $0x0;
	_ =	sdelay $0xe  }
0x17: {  	s12 =	spop (v2sf)  }
0x18: {  	(v2sf) =	vpush v0, $0x1;
	s14 =	sshll.u32 s12, $0xA;
	s12 =	sshll.u32 s12, $0x7  }
0x19: {  	s14 =	sand.u32 $0xFFFFE000, s14;
	s12 =	sand.u32 $0x380, s12  }
0x1a: {  	s13 =	rddreg [dreg:$0x4];
	s14 =	sor.u32 s12, s14  }
0x1b: {  	s12 =	sadd.s32 s11, s13;
	s17 =	sor.u32 $0x400, s14  }
0x1c: {  	[hbm4b:s12+s3] =	stream.linear.scatter [tilespmem:s17], [sflag:$0x1], $0x80, $0x38;
	[tilespmem:$0xE400] =	vst v63  }
0x1d: {  	s18 =	sor.u32 $0x800, s14;
	s15 =	sadd.s32 $0x80, s12  }
0x1e: {  	[hbm4b:s15+s3] =	stream.linear.scatter [tilespmem:s18], [sflag:$0x1], $0x80, $0x38;
	[tilespmem:$0xE400] =	vst v63  }
0x1f: {  	s19 =	sor.u32 $0xC00, s14;
	s20 =	sadd.s32 $0x100, s12  }
0x20: {  	[hbm4b:s20+s3] =	stream.linear.scatter [tilespmem:s19], [sflag:$0x1], $0x80, $0x38;
	[tilespmem:$0xE400] =	vst v63  }
0x21: {  	s21 =	sor.u32 $0x1000, s14;
	s22 =	sadd.s32 $0x180, s12  }
0x22: {  	[hbm4b:s22+s3] =	stream.linear.scatter [tilespmem:s21], [sflag:$0x1], $0x80, $0x38;
	[tilespmem:$0xE400] =	vst v63  }
0x23: {  	s23 =	sor.u32 $0x1400, s14;
	s24 =	sadd.s32 $0x200, s12  }
0x24: {  	[hbm4b:s24+s3] =	stream.linear.scatter [tilespmem:s23], [sflag:$0x1], $0x80, $0x38;
	[tilespmem:$0xE400] =	vst v63  }
0x25: {  	s25 =	sor.u32 $0x1800, s14;
	s26 =	sadd.s32 $0x280, s12  }
0x26: {  	[hbm4b:s26+s3] =	stream.linear.scatter [tilespmem:s25], [sflag:$0x1], $0x80, $0x38;
	[tilespmem:$0xE400] =	vst v63  }
0x27: {  	s28 =	sor.u32 $0x1C00, s14;
	s30 =	sadd.s32 $0x2000, s14;
	s14 =	spop (v2sf)  }
0x28: {  	s29 =	sadd.s32 $0x300, s12;
	s15 =	sshll.u32 s14, $0xA;
	s13 =	sshll.u32 s14, $0x7  }
0x29: {  	[hbm4b:s29+s3] =	stream.linear.scatter [tilespmem:s28], [sflag:$0x1], $0x80, $0x38;
	[tilespmem:$0xE400] =	vst v63  }
0x2a: {  	s14 =	sand.u32 $0xFFFFE000, s15;
	s13 =	sand.u32 $0x380, s13  }
0x2b: {  	s31 =	sadd.s32 $0x380, s12;
	s13 =	sor.u32 s13, s14  }
0x2c: {  	(v2sf) =	vpush v0, $0x2;
	[hbm4b:s31+s3] =	stream.linear.scatter [tilespmem:s30], [sflag:$0x1], $0x80, $0x38;
	[tilespmem:$0xE400] =	vst v63  }
0x2d: {  	s16 =	sadd.s32 $0x10, s12;
	s17 =	sor.u32 $0x400, s13  }
0x2e: {  	[hbm4b:s16+s3] =	stream.linear.scatter [tilespmem:s17], [sflag:$0x1], $0x80, $0x38;
	[tilespmem:$0xE400] =	vst v63  }
0x2f: {  	s19 =	sadd.s32 $0x90, s12;
	s18 =	sor.u32 $0x800, s13  }
0x30: {  	[hbm4b:s19+s3] =	stream.linear.scatter [tilespmem:s18], [sflag:$0x1], $0x80, $0x38;
	[tilespmem:$0xE400] =	vst v63  }
0x31: {  	s21 =	sadd.s32 $0x110, s12;
	s20 =	sor.u32 $0xC00, s13  }
0x32: {  	[hbm4b:s21+s3] =	stream.linear.scatter [tilespmem:s20], [sflag:$0x1], $0x80, $0x38;
	[tilespmem:$0xE400] =	vst v63  }
0x33: {  	s23 =	sadd.s32 $0x190, s12;
	s22 =	sor.u32 $0x1000, s13  }
0x34: {  	[hbm4b:s23+s3] =	stream.linear.scatter [tilespmem:s22], [sflag:$0x1], $0x80, $0x38;
	[tilespmem:$0xE400] =	vst v63  }
0x35: {  	s25 =	sadd.s32 $0x210, s12;
	s24 =	sor.u32 $0x1400, s13  }
0x36: {  	[hbm4b:s25+s3] =	stream.linear.scatter [tilespmem:s24], [sflag:$0x1], $0x80, $0x38;
	[tilespmem:$0xE400] =	vst v63  }
0x37: {  	s28 =	sadd.s32 $0x290, s12;
	s26 =	sor.u32 $0x1800, s13  }
0x38: {  	[hbm4b:s28+s3] =	stream.linear.scatter [tilespmem:s26], [sflag:$0x1], $0x80, $0x38;
	[tilespmem:$0xE400] =	vst v63  }
0x39: {  	s29 =	sor.u32 $0x1C00, s13;
	s30 =	sadd.s32 $0x310, s12  }
0x3a: {  	[hbm4b:s30+s3] =	stream.linear.scatter [tilespmem:s29], [sflag:$0x1], $0x80, $0x38;
	[tilespmem:$0xE400] =	vst v63  }
0x3b: {  	s13 =	sadd.s32 $0x2000, s13;
	s31 =	sadd.s32 $0x390, s12;
	s14 =	spop (v2sf)  }
0x3c: {  	[hbm4b:s31+s3] =	stream.linear.scatter [tilespmem:s13], [sflag:$0x1], $0x80, $0x38;
	[tilespmem:$0xE400] =	vst v63  }
0x3d: {  	s15 =	sshll.u32 s14, $0xA;
	s13 =	sshll.u32 s14, $0x7  }
0x3e: {  	s14 =	sand.u32 $0xFFFFE000, s15;
	s13 =	sand.u32 $0x380, s13  }
0x3f: {  	(v2sf) =	vpush v0, $0x3;
	s13 =	sor.u32 s13, s14  }
0x40: {  	s16 =	sadd.s32 $0x20, s12;
	s17 =	sor.u32 $0x400, s13  }
0x41: {  	[hbm4b:s16+s3] =	stream.linear.scatter [tilespmem:s17], [sflag:$0x1], $0x80, $0x38;
	[tilespmem:$0xE400] =	vst v63  }
0x42: {  	s19 =	sadd.s32 $0xA0, s12;
	s18 =	sor.u32 $0x800, s13  }
0x43: {  	[hbm4b:s19+s3] =	stream.linear.scatter [tilespmem:s18], [sflag:$0x1], $0x80, $0x38;
	[tilespmem:$0xE400] =	vst v63  }
0x44: {  	s21 =	sadd.s32 $0x120, s12;
	s20 =	sor.u32 $0xC00, s13  }
0x45: {  	[hbm4b:s21+s3] =	stream.linear.scatter [tilespmem:s20], [sflag:$0x1], $0x80, $0x38;
	[tilespmem:$0xE400] =	vst v63  }
0x46: {  	s23 =	sadd.s32 $0x1A0, s12;
	s22 =	sor.u32 $0x1000, s13  }
0x47: {  	[hbm4b:s23+s3] =	stream.linear.scatter [tilespmem:s22], [sflag:$0x1], $0x80, $0x38;
	[tilespmem:$0xE400] =	vst v63  }
0x48: {  	s25 =	sadd.s32 $0x220, s12;
	s24 =	sor.u32 $0x1400, s13  }
0x49: {  	[hbm4b:s25+s3] =	stream.linear.scatter [tilespmem:s24], [sflag:$0x1], $0x80, $0x38;
	[tilespmem:$0xE400] =	vst v63  }
0x4a: {  	s28 =	sadd.s32 $0x2A0, s12;
	s26 =	sor.u32 $0x1800, s13  }
0x4b: {  	[hbm4b:s28+s3] =	stream.linear.scatter [tilespmem:s26], [sflag:$0x1], $0x80, $0x38;
	[tilespmem:$0xE400] =	vst v63  }
0x4c: {  	s30 =	sadd.s32 $0x320, s12;
	s29 =	sor.u32 $0x1C00, s13  }
0x4d: {  	[hbm4b:s30+s3] =	stream.linear.scatter [tilespmem:s29], [sflag:$0x1], $0x80, $0x38;
	[tilespmem:$0xE400] =	vst v63  }
0x4e: {  	s31 =	sadd.s32 $0x3A0, s12;
	s13 =	sadd.s32 $0x2000, s13;
	s14 =	spop (v2sf)  }
0x4f: {  	[hbm4b:s31+s3] =	stream.linear.scatter [tilespmem:s13], [sflag:$0x1], $0x80, $0x38;
	[tilespmem:$0xE400] =	vst v63  }
0x50: {  	s15 =	sshll.u32 s14, $0xA;
	s13 =	sshll.u32 s14, $0x7  }
0x51: {  	s14 =	sand.u32 $0xFFFFE000, s15;
	s13 =	sand.u32 $0x380, s13  }
0x52: {  	(v2sf) =	vpush v0, $0x4;
	s13 =	sor.u32 s13, s14  }
0x53: {  	s16 =	sadd.s32 $0x30, s12;
	s17 =	sor.u32 $0x400, s13  }
0x54: {  	[hbm4b:s16+s3] =	stream.linear.scatter [tilespmem:s17], [sflag:$0x1], $0x80, $0x38;
	[tilespmem:$0xE400] =	vst v63  }
0x55: {  	s19 =	sadd.s32 $0xB0, s12;
	s18 =	sor.u32 $0x800, s13  }
0x56: {  	[hbm4b:s19+s3] =	stream.linear.scatter [tilespmem:s18], [sflag:$0x1], $0x80, $0x38;
	[tilespmem:$0xE400] =	vst v63  }
0x57: {  	s21 =	sadd.s32 $0x130, s12;
	s20 =	sor.u32 $0xC00, s13  }
0x58: {  	[hbm4b:s21+s3] =	stream.linear.scatter [tilespmem:s20], [sflag:$0x1], $0x80, $0x38;
	[tilespmem:$0xE400] =	vst v63  }
0x59: {  	s23 =	sadd.s32 $0x1B0, s12;
	s22 =	sor.u32 $0x1000, s13  }
0x5a: {  	[hbm4b:s23+s3] =	stream.linear.scatter [tilespmem:s22], [sflag:$0x1], $0x80, $0x38;
	[tilespmem:$0xE400] =	vst v63  }
0x5b: {  	s25 =	sadd.s32 $0x230, s12;
	s24 =	sor.u32 $0x1400, s13  }
0x5c: {  	[hbm4b:s25+s3] =	stream.linear.scatter [tilespmem:s24], [sflag:$0x1], $0x80, $0x38;
	[tilespmem:$0xE400] =	vst v63  }
0x5d: {  	s28 =	sadd.s32 $0x2B0, s12;
	s26 =	sor.u32 $0x1800, s13  }
0x5e: {  	[hbm4b:s28+s3] =	stream.linear.scatter [tilespmem:s26], [sflag:$0x1], $0x80, $0x38;
	[tilespmem:$0xE400] =	vst v63  }
0x5f: {  	s30 =	sadd.s32 $0x330, s12;
	s29 =	sor.u32 $0x1C00, s13  }
0x60: {  	[hbm4b:s30+s3] =	stream.linear.scatter [tilespmem:s29], [sflag:$0x1], $0x80, $0x38;
	[tilespmem:$0xE400] =	vst v63  }
0x61: {  	s31 =	sadd.s32 $0x3B0, s12;
	s13 =	sadd.s32 $0x2000, s13;
	s14 =	spop (v2sf)  }
0x62: {  	[hbm4b:s31+s3] =	stream.linear.scatter [tilespmem:s13], [sflag:$0x1], $0x80, $0x38;
	[tilespmem:$0xE400] =	vst v63  }
0x63: {  	s15 =	sshll.u32 s14, $0xA;
	s13 =	sshll.u32 s14, $0x7  }
0x64: {  	s14 =	sand.u32 $0xFFFFE000, s15;
	s13 =	sand.u32 $0x380, s13  }
0x65: {  	(v2sf) =	vpush v0, $0x5;
	s13 =	sor.u32 s13, s14  }
0x66: {  	s16 =	sadd.s32 $0x40, s12;
	s17 =	sor.u32 $0x400, s13  }
0x67: {  	[hbm4b:s16+s3] =	stream.linear.scatter [tilespmem:s17], [sflag:$0x1], $0x80, $0x38;
	[tilespmem:$0xE400] =	vst v63  }
0x68: {  	s19 =	sadd.s32 $0xC0, s12;
	s18 =	sor.u32 $0x800, s13  }
0x69: {  	[hbm4b:s19+s3] =	stream.linear.scatter [tilespmem:s18], [sflag:$0x1], $0x80, $0x38;
	[tilespmem:$0xE400] =	vst v63  }
0x6a: {  	s21 =	sadd.s32 $0x140, s12;
	s20 =	sor.u32 $0xC00, s13  }
0x6b: {  	[hbm4b:s21+s3] =	stream.linear.scatter [tilespmem:s20], [sflag:$0x1], $0x80, $0x38;
	[tilespmem:$0xE400] =	vst v63  }
0x6c: {  	s23 =	sadd.s32 $0x1C0, s12;
	s22 =	sor.u32 $0x1000, s13  }
0x6d: {  	[hbm4b:s23+s3] =	stream.linear.scatter [tilespmem:s22], [sflag:$0x1], $0x80, $0x38;
	[tilespmem:$0xE400] =	vst v63  }
0x6e: {  	s25 =	sadd.s32 $0x240, s12;
	s24 =	sor.u32 $0x1400, s13  }
0x6f: {  	[hbm4b:s25+s3] =	stream.linear.scatter [tilespmem:s24], [sflag:$0x1], $0x80, $0x38;
	[tilespmem:$0xE400] =	vst v63  }
0x70: {  	s28 =	sadd.s32 $0x2C0, s12;
	s26 =	sor.u32 $0x1800, s13  }
0x71: {  	[hbm4b:s28+s3] =	stream.linear.scatter [tilespmem:s26], [sflag:$0x1], $0x80, $0x38;
	[tilespmem:$0xE400] =	vst v63  }
0x72: {  	s30 =	sadd.s32 $0x340, s12;
	s29 =	sor.u32 $0x1C00, s13  }
0x73: {  	[hbm4b:s30+s3] =	stream.linear.scatter [tilespmem:s29], [sflag:$0x1], $0x80, $0x38;
	[tilespmem:$0xE400] =	vst v63  }
0x74: {  	s31 =	sadd.s32 $0x3C0, s12;
	s13 =	sadd.s32 $0x2000, s13;
	s14 =	spop (v2sf)  }
0x75: {  	[hbm4b:s31+s3] =	stream.linear.scatter [tilespmem:s13], [sflag:$0x1], $0x80, $0x38;
	[tilespmem:$0xE400] =	vst v63  }
0x76: {  	s15 =	sshll.u32 s14, $0xA;
	s13 =	sshll.u32 s14, $0x7  }
0x77: {  	s14 =	sand.u32 $0xFFFFE000, s15;
	s13 =	sand.u32 $0x380, s13  }
0x78: {  	(v2sf) =	vpush v0, $0x6;
	s13 =	sor.u32 s13, s14  }
0x79: {  	s16 =	sadd.s32 $0x50, s12;
	s17 =	sor.u32 $0x400, s13  }
0x7a: {  	[hbm4b:s16+s3] =	stream.linear.scatter [tilespmem:s17], [sflag:$0x1], $0x80, $0x38;
	[tilespmem:$0xE400] =	vst v63  }
0x7b: {  	s19 =	sadd.s32 $0xD0, s12;
	s18 =	sor.u32 $0x800, s13  }
0x7c: {  	[hbm4b:s19+s3] =	stream.linear.scatter [tilespmem:s18], [sflag:$0x1], $0x80, $0x38;
	[tilespmem:$0xE400] =	vst v63  }
0x7d: {  	s21 =	sadd.s32 $0x150, s12;
	s20 =	sor.u32 $0xC00, s13  }
0x7e: {  	[hbm4b:s21+s3] =	stream.linear.scatter [tilespmem:s20], [sflag:$0x1], $0x80, $0x38;
	[tilespmem:$0xE400] =	vst v63  }
0x7f: {  	s23 =	sadd.s32 $0x1D0, s12;
	s22 =	sor.u32 $0x1000, s13  }
0x80: {  	[hbm4b:s23+s3] =	stream.linear.scatter [tilespmem:s22], [sflag:$0x1], $0x80, $0x38;
	[tilespmem:$0xE400] =	vst v63  }
0x81: {  	s25 =	sadd.s32 $0x250, s12;
	s24 =	sor.u32 $0x1400, s13  }
0x82: {  	[hbm4b:s25+s3] =	stream.linear.scatter [tilespmem:s24], [sflag:$0x1], $0x80, $0x38;
	[tilespmem:$0xE400] =	vst v63  }
0x83: {  	s28 =	sadd.s32 $0x2D0, s12;
	s26 =	sor.u32 $0x1800, s13  }
0x84: {  	[hbm4b:s28+s3] =	stream.linear.scatter [tilespmem:s26], [sflag:$0x1], $0x80, $0x38;
	[tilespmem:$0xE400] =	vst v63  }
0x85: {  	s30 =	sadd.s32 $0x350, s12;
	s29 =	sor.u32 $0x1C00, s13  }
0x86: {  	[hbm4b:s30+s3] =	stream.linear.scatter [tilespmem:s29], [sflag:$0x1], $0x80, $0x38;
	[tilespmem:$0xE400] =	vst v63  }
0x87: {  	s31 =	sadd.s32 $0x3D0, s12;
	s14 =	spop (v2sf);
	s13 =	sadd.s32 $0x2000, s13  }
0x88: {  	[hbm4b:s31+s3] =	stream.linear.scatter [tilespmem:s13], [sflag:$0x1], $0x80, $0x38;
	[tilespmem:$0xE400] =	vst v63  }
0x89: {  	s15 =	sshll.u32 s14, $0xA;
	s13 =	sshll.u32 s14, $0x7  }
0x8a: {  	s14 =	sand.u32 $0xFFFFE000, s15;
	s13 =	sand.u32 $0x380, s13  }
0x8b: {  	(v2sf) =	vpush v0, $0x7;
	s13 =	sor.u32 s13, s14  }
0x8c: {  	s16 =	sadd.s32 $0x60, s12;
	s17 =	sor.u32 $0x400, s13  }
0x8d: {  	[hbm4b:s16+s3] =	stream.linear.scatter [tilespmem:s17], [sflag:$0x1], $0x80, $0x38;
	[tilespmem:$0xE400] =	vst v63  }
0x8e: {  	s19 =	sadd.s32 $0xE0, s12;
	s18 =	sor.u32 $0x800, s13  }
0x8f: {  	[hbm4b:s19+s3] =	stream.linear.scatter [tilespmem:s18], [sflag:$0x1], $0x80, $0x38;
	[tilespmem:$0xE400] =	vst v63  }
0x90: {  	s21 =	sadd.s32 $0x160, s12;
	s20 =	sor.u32 $0xC00, s13  }
0x91: {  	[hbm4b:s21+s3] =	stream.linear.scatter [tilespmem:s20], [sflag:$0x1], $0x80, $0x38;
	[tilespmem:$0xE400] =	vst v63  }
0x92: {  	s23 =	sadd.s32 $0x1E0, s12;
	s22 =	sor.u32 $0x1000, s13  }
0x93: {  	[hbm4b:s23+s3] =	stream.linear.scatter [tilespmem:s22], [sflag:$0x1], $0x80, $0x38;
	[tilespmem:$0xE400] =	vst v63  }
0x94: {  	s25 =	sadd.s32 $0x260, s12;
	s24 =	sor.u32 $0x1400, s13  }
0x95: {  	[hbm4b:s25+s3] =	stream.linear.scatter [tilespmem:s24], [sflag:$0x1], $0x80, $0x38;
	[tilespmem:$0xE400] =	vst v63  }
0x96: {  	s28 =	sadd.s32 $0x2E0, s12;
	s26 =	sor.u32 $0x1800, s13  }
0x97: {  	[hbm4b:s28+s3] =	stream.linear.scatter [tilespmem:s26], [sflag:$0x1], $0x80, $0x38;
	[tilespmem:$0xE400] =	vst v63  }
0x98: {  	s30 =	sadd.s32 $0x360, s12;
	s29 =	sor.u32 $0x1C00, s13  }
0x99: {  	[hbm4b:s30+s3] =	stream.linear.scatter [tilespmem:s29], [sflag:$0x1], $0x80, $0x38;
	[tilespmem:$0xE400] =	vst v63  }
0x9a: {  	s31 =	sadd.s32 $0x3E0, s12;
	s14 =	spop (v2sf);
	s13 =	sadd.s32 $0x2000, s13  }
0x9b: {  	[hbm4b:s31+s3] =	stream.linear.scatter [tilespmem:s13], [sflag:$0x1], $0x80, $0x38;
	[tilespmem:$0xE400] =	vst v63  }
0x9c: {  	s15 =	sshll.u32 s14, $0xA;
	s13 =	sshll.u32 s14, $0x7  }
0x9d: {  	s14 =	sand.u32 $0xFFFFE000, s15;
	s13 =	sand.u32 $0x380, s13  }
0x9e: {  	(v2sf) =	vpush v0, $0x8;
	s13 =	sor.u32 s13, s14  }
0x9f: {  	s16 =	sadd.s32 $0x70, s12;
	s17 =	sor.u32 $0x400, s13  }
0xa0: {  	[hbm4b:s16+s3] =	stream.linear.scatter [tilespmem:s17], [sflag:$0x1], $0x80, $0x38;
	[tilespmem:$0xE400] =	vst v63  }
0xa1: {  	s19 =	sadd.s32 $0xF0, s12;
	s18 =	sor.u32 $0x800, s13  }
0xa2: {  	[hbm4b:s19+s3] =	stream.linear.scatter [tilespmem:s18], [sflag:$0x1], $0x80, $0x38;
	[tilespmem:$0xE400] =	vst v63  }
0xa3: {  	s21 =	sadd.s32 $0x170, s12;
	s20 =	sor.u32 $0xC00, s13  }
0xa4: {  	[hbm4b:s21+s3] =	stream.linear.scatter [tilespmem:s20], [sflag:$0x1], $0x80, $0x38;
	[tilespmem:$0xE400] =	vst v63  }
0xa5: {  	s23 =	sadd.s32 $0x1F0, s12;
	s22 =	sor.u32 $0x1000, s13  }
0xa6: {  	[hbm4b:s23+s3] =	stream.linear.scatter [tilespmem:s22], [sflag:$0x1], $0x80, $0x38;
	[tilespmem:$0xE400] =	vst v63  }
0xa7: {  	s25 =	sadd.s32 $0x270, s12;
	s24 =	sor.u32 $0x1400, s13  }
0xa8: {  	[hbm4b:s25+s3] =	stream.linear.scatter [tilespmem:s24], [sflag:$0x1], $0x80, $0x38;
	[tilespmem:$0xE400] =	vst v63  }
0xa9: {  	s28 =	sadd.s32 $0x2F0, s12;
	s26 =	sor.u32 $0x1800, s13  }
0xaa: {  	[hbm4b:s28+s3] =	stream.linear.scatter [tilespmem:s26], [sflag:$0x1], $0x80, $0x38;
	[tilespmem:$0xE400] =	vst v63  }
0xab: {  	s30 =	sadd.s32 $0x370, s12;
	s29 =	sor.u32 $0x1C00, s13  }
0xac: {  	[hbm4b:s30+s3] =	stream.linear.scatter [tilespmem:s29], [sflag:$0x1], $0x80, $0x38;
	[tilespmem:$0xE400] =	vst v63  }
0xad: {  	s31 =	sadd.s32 $0x3F0, s12;
	s14 =	spop (v2sf);
	s13 =	sadd.s32 $0x2000, s13  }
0xae: {  	[hbm4b:s31+s3] =	stream.linear.scatter [tilespmem:s13], [sflag:$0x1], $0x80, $0x38;
	[tilespmem:$0xE400] =	vst v63  }
0xaf: {  	s15 =	sshll.u32 s14, $0xA;
	s13 =	sshll.u32 s14, $0x7  }
0xb0: {  	s14 =	sand.u32 $0xFFFFE000, s15;
	s13 =	sand.u32 $0x380, s13  }
0xb1: {  	(v2sf) =	vpush v0, $0x9;
	s13 =	sor.u32 s13, s14  }
0xb2: {  	s16 =	sadd.s32 $0x400, s12;
	s17 =	sor.u32 $0x400, s13  }
0xb3: {  	[hbm4b:s16+s3] =	stream.linear.scatter [tilespmem:s17], [sflag:$0x1], $0x80, $0x38;
	[tilespmem:$0xE400] =	vst v63  }
0xb4: {  	s19 =	sadd.s32 $0x480, s12;
	s18 =	sor.u32 $0x800, s13  }
0xb5: {  	[hbm4b:s19+s3] =	stream.linear.scatter [tilespmem:s18], [sflag:$0x1], $0x80, $0x38;
	[tilespmem:$0xE400] =	vst v63  }
0xb6: {  	s21 =	sadd.s32 $0x500, s12;
	s20 =	sor.u32 $0xC00, s13  }
0xb7: {  	[hbm4b:s21+s3] =	stream.linear.scatter [tilespmem:s20], [sflag:$0x1], $0x80, $0x38;
	[tilespmem:$0xE400] =	vst v63  }
0xb8: {  	s23 =	sadd.s32 $0x580, s12;
	s22 =	sor.u32 $0x1000, s13  }
0xb9: {  	[hbm4b:s23+s3] =	stream.linear.scatter [tilespmem:s22], [sflag:$0x1], $0x80, $0x38;
	[tilespmem:$0xE400] =	vst v63  }
0xba: {  	s25 =	sadd.s32 $0x600, s12;
	s24 =	sor.u32 $0x1400, s13  }
0xbb: {  	[hbm4b:s25+s3] =	stream.linear.scatter [tilespmem:s24], [sflag:$0x1], $0x80, $0x38;
	[tilespmem:$0xE400] =	vst v63  }
0xbc: {  	s28 =	sadd.s32 $0x680, s12;
	s26 =	sor.u32 $0x1800, s13  }
0xbd: {  	[hbm4b:s28+s3] =	stream.linear.scatter [tilespmem:s26], [sflag:$0x1], $0x80, $0x38;
	[tilespmem:$0xE400] =	vst v63  }
0xbe: {  	s30 =	sadd.s32 $0x700, s12;
	s29 =	sor.u32 $0x1C00, s13  }
0xbf: {  	[hbm4b:s30+s3] =	stream.linear.scatter [tilespmem:s29], [sflag:$0x1], $0x80, $0x38;
	[tilespmem:$0xE400] =	vst v63  }
0xc0: {  	s31 =	sadd.s32 $0x780, s12;
	s14 =	spop (v2sf);
	s13 =	sadd.s32 $0x2000, s13  }
0xc1: {  	[hbm4b:s31+s3] =	stream.linear.scatter [tilespmem:s13], [sflag:$0x1], $0x80, $0x38;
	[tilespmem:$0xE400] =	vst v63  }
0xc2: {  	s15 =	sshll.u32 s14, $0xA;
	s13 =	sshll.u32 s14, $0x7  }
0xc3: {  	s14 =	sand.u32 $0xFFFFE000, s15;
	s13 =	sand.u32 $0x380, s13  }
0xc4: {  	(v2sf) =	vpush v0, $0xA;
	s13 =	sor.u32 s13, s14  }
0xc5: {  	s16 =	sadd.s32 $0x410, s12;
	s17 =	sor.u32 $0x400, s13  }
0xc6: {  	[hbm4b:s16+s3] =	stream.linear.scatter [tilespmem:s17], [sflag:$0x1], $0x80, $0x38;
	[tilespmem:$0xE400] =	vst v63  }
0xc7: {  	s19 =	sadd.s32 $0x490, s12;
	s18 =	sor.u32 $0x800, s13  }
0xc8: {  	[hbm4b:s19+s3] =	stream.linear.scatter [tilespmem:s18], [sflag:$0x1], $0x80, $0x38;
	[tilespmem:$0xE400] =	vst v63  }
0xc9: {  	s21 =	sadd.s32 $0x510, s12;
	s20 =	sor.u32 $0xC00, s13  }
0xca: {  	[hbm4b:s21+s3] =	stream.linear.scatter [tilespmem:s20], [sflag:$0x1], $0x80, $0x38;
	[tilespmem:$0xE400] =	vst v63  }
0xcb: {  	s23 =	sadd.s32 $0x590, s12;
	s22 =	sor.u32 $0x1000, s13  }
0xcc: {  	[hbm4b:s23+s3] =	stream.linear.scatter [tilespmem:s22], [sflag:$0x1], $0x80, $0x38;
	[tilespmem:$0xE400] =	vst v63  }
0xcd: {  	s25 =	sadd.s32 $0x610, s12;
	s24 =	sor.u32 $0x1400, s13  }
0xce: {  	[hbm4b:s25+s3] =	stream.linear.scatter [tilespmem:s24], [sflag:$0x1], $0x80, $0x38;
	[tilespmem:$0xE400] =	vst v63  }
0xcf: {  	s28 =	sadd.s32 $0x690, s12;
	s26 =	sor.u32 $0x1800, s13  }
0xd0: {  	[hbm4b:s28+s3] =	stream.linear.scatter [tilespmem:s26], [sflag:$0x1], $0x80, $0x38;
	[tilespmem:$0xE400] =	vst v63  }
0xd1: {  	s30 =	sadd.s32 $0x710, s12;
	s29 =	sor.u32 $0x1C00, s13  }
0xd2: {  	[hbm4b:s30+s3] =	stream.linear.scatter [tilespmem:s29], [sflag:$0x1], $0x80, $0x38;
	[tilespmem:$0xE400] =	vst v63  }
0xd3: {  	s31 =	sadd.s32 $0x790, s12;
	s14 =	spop (v2sf);
	s13 =	sadd.s32 $0x2000, s13  }
0xd4: {  	[hbm4b:s31+s3] =	stream.linear.scatter [tilespmem:s13], [sflag:$0x1], $0x80, $0x38;
	[tilespmem:$0xE400] =	vst v63  }
0xd5: {  	s15 =	sshll.u32 s14, $0xA;
	s13 =	sshll.u32 s14, $0x7  }
0xd6: {  	s14 =	sand.u32 $0xFFFFE000, s15;
	s13 =	sand.u32 $0x380, s13  }
0xd7: {  	(v2sf) =	vpush v0, $0xB;
	s13 =	sor.u32 s13, s14  }
0xd8: {  	s16 =	sadd.s32 $0x420, s12;
	s17 =	sor.u32 $0x400, s13  }
0xd9: {  	[hbm4b:s16+s3] =	stream.linear.scatter [tilespmem:s17], [sflag:$0x1], $0x80, $0x38;
	[tilespmem:$0xE400] =	vst v63  }
0xda: {  	s19 =	sadd.s32 $0x4A0, s12;
	s18 =	sor.u32 $0x800, s13  }
0xdb: {  	[hbm4b:s19+s3] =	stream.linear.scatter [tilespmem:s18], [sflag:$0x1], $0x80, $0x38;
	[tilespmem:$0xE400] =	vst v63  }
0xdc: {  	s21 =	sadd.s32 $0x520, s12;
	s20 =	sor.u32 $0xC00, s13  }
0xdd: {  	[hbm4b:s21+s3] =	stream.linear.scatter [tilespmem:s20], [sflag:$0x1], $0x80, $0x38;
	[tilespmem:$0xE400] =	vst v63  }
0xde: {  	s23 =	sadd.s32 $0x5A0, s12;
	s22 =	sor.u32 $0x1000, s13  }
0xdf: {  	[hbm4b:s23+s3] =	stream.linear.scatter [tilespmem:s22], [sflag:$0x1], $0x80, $0x38;
	[tilespmem:$0xE400] =	vst v63  }
0xe0: {  	s25 =	sadd.s32 $0x620, s12;
	s24 =	sor.u32 $0x1400, s13  }
0xe1: {  	[hbm4b:s25+s3] =	stream.linear.scatter [tilespmem:s24], [sflag:$0x1], $0x80, $0x38;
	[tilespmem:$0xE400] =	vst v63  }
0xe2: {  	s28 =	sadd.s32 $0x6A0, s12;
	s26 =	sor.u32 $0x1800, s13  }
0xe3: {  	[hbm4b:s28+s3] =	stream.linear.scatter [tilespmem:s26], [sflag:$0x1], $0x80, $0x38;
	[tilespmem:$0xE400] =	vst v63  }
0xe4: {  	s30 =	sadd.s32 $0x720, s12;
	s29 =	sor.u32 $0x1C00, s13  }
0xe5: {  	[hbm4b:s30+s3] =	stream.linear.scatter [tilespmem:s29], [sflag:$0x1], $0x80, $0x38;
	[tilespmem:$0xE400] =	vst v63  }
0xe6: {  	s31 =	sadd.s32 $0x7A0, s12;
	s14 =	spop (v2sf);
	s13 =	sadd.s32 $0x2000, s13  }
0xe7: {  	[hbm4b:s31+s3] =	stream.linear.scatter [tilespmem:s13], [sflag:$0x1], $0x80, $0x38;
	[tilespmem:$0xE400] =	vst v63  }
0xe8: {  	s15 =	sshll.u32 s14, $0xA;
	s13 =	sshll.u32 s14, $0x7  }
0xe9: {  	s14 =	sand.u32 $0xFFFFE000, s15;
	s13 =	sand.u32 $0x380, s13  }
0xea: {  	(v2sf) =	vpush v0, $0xC;
	s13 =	sor.u32 s13, s14  }
0xeb: {  	s16 =	sadd.s32 $0x430, s12;
	s17 =	sor.u32 $0x400, s13  }
0xec: {  	[hbm4b:s16+s3] =	stream.linear.scatter [tilespmem:s17], [sflag:$0x1], $0x80, $0x38;
	[tilespmem:$0xE400] =	vst v63  }
0xed: {  	s19 =	sadd.s32 $0x4B0, s12;
	s18 =	sor.u32 $0x800, s13  }
0xee: {  	[hbm4b:s19+s3] =	stream.linear.scatter [tilespmem:s18], [sflag:$0x1], $0x80, $0x38;
	[tilespmem:$0xE400] =	vst v63  }
0xef: {  	s21 =	sadd.s32 $0x530, s12;
	s20 =	sor.u32 $0xC00, s13  }
0xf0: {  	[hbm4b:s21+s3] =	stream.linear.scatter [tilespmem:s20], [sflag:$0x1], $0x80, $0x38;
	[tilespmem:$0xE400] =	vst v63  }
0xf1: {  	s23 =	sadd.s32 $0x5B0, s12;
	s22 =	sor.u32 $0x1000, s13  }
0xf2: {  	[hbm4b:s23+s3] =	stream.linear.scatter [tilespmem:s22], [sflag:$0x1], $0x80, $0x38;
	[tilespmem:$0xE400] =	vst v63  }
0xf3: {  	s25 =	sadd.s32 $0x630, s12;
	s24 =	sor.u32 $0x1400, s13  }
0xf4: {  	[hbm4b:s25+s3] =	stream.linear.scatter [tilespmem:s24], [sflag:$0x1], $0x80, $0x38;
	[tilespmem:$0xE400] =	vst v63  }
0xf5: {  	s28 =	sadd.s32 $0x6B0, s12;
	s26 =	sor.u32 $0x1800, s13  }
0xf6: {  	[hbm4b:s28+s3] =	stream.linear.scatter [tilespmem:s26], [sflag:$0x1], $0x80, $0x38;
	[tilespmem:$0xE400] =	vst v63  }
0xf7: {  	s30 =	sadd.s32 $0x730, s12;
	s29 =	sor.u32 $0x1C00, s13  }
0xf8: {  	[hbm4b:s30+s3] =	stream.linear.scatter [tilespmem:s29], [sflag:$0x1], $0x80, $0x38;
	[tilespmem:$0xE400] =	vst v63  }
0xf9: {  	s31 =	sadd.s32 $0x7B0, s12;
	s14 =	spop (v2sf);
	s13 =	sadd.s32 $0x2000, s13  }
0xfa: {  	[hbm4b:s31+s3] =	stream.linear.scatter [tilespmem:s13], [sflag:$0x1], $0x80, $0x38;
	[tilespmem:$0xE400] =	vst v63  }
0xfb: {  	s15 =	sshll.u32 s14, $0xA;
	s13 =	sshll.u32 s14, $0x7  }
0xfc: {  	s14 =	sand.u32 $0xFFFFE000, s15;
	s13 =	sand.u32 $0x380, s13  }
0xfd: {  	(v2sf) =	vpush v0, $0xD;
	s13 =	sor.u32 s13, s14  }
0xfe: {  	s16 =	sadd.s32 $0x440, s12;
	s17 =	sor.u32 $0x400, s13  }
0xff: {  	[hbm4b:s16+s3] =	stream.linear.scatter [tilespmem:s17], [sflag:$0x1], $0x80, $0x38;
	[tilespmem:$0xE400] =	vst v63  }
0x100: {  	s19 =	sadd.s32 $0x4C0, s12;
	s18 =	sor.u32 $0x800, s13  }
0x101: {  	[hbm4b:s19+s3] =	stream.linear.scatter [tilespmem:s18], [sflag:$0x1], $0x80, $0x38;
	[tilespmem:$0xE400] =	vst v63  }
0x102: {  	s21 =	sadd.s32 $0x540, s12;
	s20 =	sor.u32 $0xC00, s13  }
0x103: {  	[hbm4b:s21+s3] =	stream.linear.scatter [tilespmem:s20], [sflag:$0x1], $0x80, $0x38;
	[tilespmem:$0xE400] =	vst v63  }
0x104: {  	s23 =	sadd.s32 $0x5C0, s12;
	s22 =	sor.u32 $0x1000, s13  }
0x105: {  	[hbm4b:s23+s3] =	stream.linear.scatter [tilespmem:s22], [sflag:$0x1], $0x80, $0x38;
	[tilespmem:$0xE400] =	vst v63  }
0x106: {  	s25 =	sadd.s32 $0x640, s12;
	s24 =	sor.u32 $0x1400, s13  }
0x107: {  	[hbm4b:s25+s3] =	stream.linear.scatter [tilespmem:s24], [sflag:$0x1], $0x80, $0x38;
	[tilespmem:$0xE400] =	vst v63  }
0x108: {  	s28 =	sadd.s32 $0x6C0, s12;
	s26 =	sor.u32 $0x1800, s13  }
0x109: {  	[hbm4b:s28+s3] =	stream.linear.scatter [tilespmem:s26], [sflag:$0x1], $0x80, $0x38;
	[tilespmem:$0xE400] =	vst v63  }
0x10a: {  	s30 =	sadd.s32 $0x740, s12;
	s29 =	sor.u32 $0x1C00, s13  }
0x10b: {  	[hbm4b:s30+s3] =	stream.linear.scatter [tilespmem:s29], [sflag:$0x1], $0x80, $0x38;
	[tilespmem:$0xE400] =	vst v63  }
0x10c: {  	s31 =	sadd.s32 $0x7C0, s12;
	s14 =	spop (v2sf);
	s13 =	sadd.s32 $0x2000, s13  }
0x10d: {  	[hbm4b:s31+s3] =	stream.linear.scatter [tilespmem:s13], [sflag:$0x1], $0x80, $0x38;
	[tilespmem:$0xE400] =	vst v63  }
0x10e: {  	s15 =	sshll.u32 s14, $0xA;
	s13 =	sshll.u32 s14, $0x7  }
0x10f: {  	s14 =	sand.u32 $0xFFFFE000, s15;
	s13 =	sand.u32 $0x380, s13  }
0x110: {  	(v2sf) =	vpush v0, $0xE;
	s13 =	sor.u32 s13, s14  }
0x111: {  	s16 =	sadd.s32 $0x450, s12;
	s17 =	sor.u32 $0x400, s13  }
0x112: {  	[hbm4b:s16+s3] =	stream.linear.scatter [tilespmem:s17], [sflag:$0x1], $0x80, $0x38;
	[tilespmem:$0xE400] =	vst v63  }
0x113: {  	s19 =	sadd.s32 $0x4D0, s12;
	s18 =	sor.u32 $0x800, s13  }
0x114: {  	[hbm4b:s19+s3] =	stream.linear.scatter [tilespmem:s18], [sflag:$0x1], $0x80, $0x38;
	[tilespmem:$0xE400] =	vst v63  }
0x115: {  	s21 =	sadd.s32 $0x550, s12;
	s20 =	sor.u32 $0xC00, s13  }
0x116: {  	[hbm4b:s21+s3] =	stream.linear.scatter [tilespmem:s20], [sflag:$0x1], $0x80, $0x38;
	[tilespmem:$0xE400] =	vst v63  }
0x117: {  	s23 =	sadd.s32 $0x5D0, s12;
	s22 =	sor.u32 $0x1000, s13  }
0x118: {  	[hbm4b:s23+s3] =	stream.linear.scatter [tilespmem:s22], [sflag:$0x1], $0x80, $0x38;
	[tilespmem:$0xE400] =	vst v63  }
0x119: {  	s25 =	sadd.s32 $0x650, s12;
	s24 =	sor.u32 $0x1400, s13  }
0x11a: {  	[hbm4b:s25+s3] =	stream.linear.scatter [tilespmem:s24], [sflag:$0x1], $0x80, $0x38;
	[tilespmem:$0xE400] =	vst v63  }
0x11b: {  	s28 =	sadd.s32 $0x6D0, s12;
	s26 =	sor.u32 $0x1800, s13  }
0x11c: {  	[hbm4b:s28+s3] =	stream.linear.scatter [tilespmem:s26], [sflag:$0x1], $0x80, $0x38;
	[tilespmem:$0xE400] =	vst v63  }
0x11d: {  	s30 =	sadd.s32 $0x750, s12;
	s29 =	sor.u32 $0x1C00, s13  }
0x11e: {  	[hbm4b:s30+s3] =	stream.linear.scatter [tilespmem:s29], [sflag:$0x1], $0x80, $0x38;
	[tilespmem:$0xE400] =	vst v63  }
0x11f: {  	s31 =	sadd.s32 $0x7D0, s12;
	s14 =	spop (v2sf);
	s13 =	sadd.s32 $0x2000, s13  }
0x120: {  	[hbm4b:s31+s3] =	stream.linear.scatter [tilespmem:s13], [sflag:$0x1], $0x80, $0x38;
	[tilespmem:$0xE400] =	vst v63  }
0x121: {  	s15 =	sshll.u32 s14, $0xA;
	s13 =	sshll.u32 s14, $0x7  }
0x122: {  	s14 =	sand.u32 $0xFFFFE000, s15;
	s13 =	sand.u32 $0x380, s13  }
0x123: {  	(v2sf) =	vpush v0, $0xF;
	s13 =	sor.u32 s13, s14  }
0x124: {  	s16 =	sadd.s32 $0x460, s12;
	s17 =	sor.u32 $0x400, s13  }
0x125: {  	[hbm4b:s16+s3] =	stream.linear.scatter [tilespmem:s17], [sflag:$0x1], $0x80, $0x38;
	[tilespmem:$0xE400] =	vst v63  }
0x126: {  	s19 =	sadd.s32 $0x4E0, s12;
	s18 =	sor.u32 $0x800, s13  }
0x127: {  	[hbm4b:s19+s3] =	stream.linear.scatter [tilespmem:s18], [sflag:$0x1], $0x80, $0x38;
	[tilespmem:$0xE400] =	vst v63  }
0x128: {  	s21 =	sadd.s32 $0x560, s12;
	s20 =	sor.u32 $0xC00, s13  }
0x129: {  	[hbm4b:s21+s3] =	stream.linear.scatter [tilespmem:s20], [sflag:$0x1], $0x80, $0x38;
	[tilespmem:$0xE400] =	vst v63  }
0x12a: {  	s23 =	sadd.s32 $0x5E0, s12;
	s22 =	sor.u32 $0x1000, s13  }
0x12b: {  	[hbm4b:s23+s3] =	stream.linear.scatter [tilespmem:s22], [sflag:$0x1], $0x80, $0x38;
	[tilespmem:$0xE400] =	vst v63  }
0x12c: {  	s25 =	sadd.s32 $0x660, s12;
	s24 =	sor.u32 $0x1400, s13  }
0x12d: {  	[hbm4b:s25+s3] =	stream.linear.scatter [tilespmem:s24], [sflag:$0x1], $0x80, $0x38;
	[tilespmem:$0xE400] =	vst v63  }
0x12e: {  	s28 =	sadd.s32 $0x6E0, s12;
	s26 =	sor.u32 $0x1800, s13  }
0x12f: {  	[hbm4b:s28+s3] =	stream.linear.scatter [tilespmem:s26], [sflag:$0x1], $0x80, $0x38;
	[tilespmem:$0xE400] =	vst v63  }
0x130: {  	s30 =	sadd.s32 $0x760, s12;
	s29 =	sor.u32 $0x1C00, s13  }
0x131: {  	[hbm4b:s30+s3] =	stream.linear.scatter [tilespmem:s29], [sflag:$0x1], $0x80, $0x38;
	[tilespmem:$0xE400] =	vst v63  }
0x132: {  	s31 =	sadd.s32 $0x7E0, s12;
	s15 =	spop (v2sf);
	s13 =	sadd.s32 $0x2000, s13  }
0x133: {  	[hbm4b:s31+s3] =	stream.linear.scatter [tilespmem:s13], [sflag:$0x1], $0x80, $0x38;
	[tilespmem:$0xE400] =	vst v63  }
0x134: {  	s16 =	sshll.u32 s15, $0xA;
	s13 =	sshll.u32 s15, $0x7  }
0x135: {  	s14 =	sand.u32 $0xFFFFE000, s16;
	s13 =	sand.u32 $0x380, s13  }
0x136: {  	s13 =	sor.u32 s13, s14  }
0x137: {  	s17 =	sadd.s32 $0x470, s12;
	s18 =	sor.u32 $0x400, s13  }
0x138: {  	[hbm4b:s17+s3] =	stream.linear.scatter [tilespmem:s18], [sflag:$0x1], $0x80, $0x38;
	[tilespmem:$0xE400] =	vst v63  }
0x139: {  	s20 =	sadd.s32 $0x4F0, s12;
	s19 =	sor.u32 $0x800, s13  }
0x13a: {  	[hbm4b:s20+s3] =	stream.linear.scatter [tilespmem:s19], [sflag:$0x1], $0x80, $0x38;
	[tilespmem:$0xE400] =	vst v63  }
0x13b: {  	s22 =	sadd.s32 $0x570, s12;
	s21 =	sor.u32 $0xC00, s13  }
0x13c: {  	[hbm4b:s22+s3] =	stream.linear.scatter [tilespmem:s21], [sflag:$0x1], $0x80, $0x38;
	[tilespmem:$0xE400] =	vst v63  }
0x13d: {  	s24 =	sadd.s32 $0x5F0, s12;
	s23 =	sor.u32 $0x1000, s13  }
0x13e: {  	[hbm4b:s24+s3] =	stream.linear.scatter [tilespmem:s23], [sflag:$0x1], $0x80, $0x38;
	[tilespmem:$0xE400] =	vst v63  }
0x13f: {  	s26 =	sadd.s32 $0x670, s12;
	s25 =	sor.u32 $0x1400, s13  }
0x140: {  	[hbm4b:s26+s3] =	stream.linear.scatter [tilespmem:s25], [sflag:$0x1], $0x80, $0x38;
	[tilespmem:$0xE400] =	vst v63  }
0x141: {  	p0 =	sne.s32 s11, $0x1F800;
	s29 =	sadd.s32 $0x6F0, s12;
	s28 =	sor.u32 $0x1800, s13  }
0x142: {  	[hbm4b:s29+s3] =	stream.linear.scatter [tilespmem:s28], [sflag:$0x1], $0x80, $0x38;
	[tilespmem:$0xE400] =	vst v63  }
.Ltmp0:
0x143: {  	_ = 	snop;
	(pc) =	sbr.rel @p0 .LBB2_2-.Ltmp0, $4  }
0x144: {  	s10 =	sadd.s32 $0x10, s10;
	s31 =	sadd.s32 $0x770, s12;
	s30 =	sor.u32 $0x1C00, s13  }
0x145: {  	[hbm4b:s31+s3] =	stream.linear.scatter [tilespmem:s30], [sflag:$0x1], $0x80, $0x38;
	[tilespmem:$0xE400] =	vst v63  }
0x146: {  	s11 =	sadd.s32 $0x800, s11;
	s12 =	sadd.s32 $0x7F0, s12;
	s13 =	sadd.s32 $0x2000, s13  }
0x147: {  	[hbm4b:s12+s3] =	stream.linear.scatter [tilespmem:s13], [sflag:$0x1], $0x80, $0x38;
	[tilespmem:$0xE400] =	vst v63  }
0x148: {  	_ =	swait.ge [sflag:s8], $0x4000  }
0x149: {  	s10 =	simm.s32 $0x3F;
	[sflag:s8] =	ssyncset.done $0x0  }
.LBB2_4:
0x14a: {  	p0 =	sne.s32 s10, $0x1;
	s10 =	sadd.s32 $0xFFFFFFFF, s10;
	[sflag:s8] =	ssyncadd.s32 $0xFFFFC000  }
.Ltmp1:
0x14b: {  	(pc) =	sbr.rel @p0 .LBB2_4-.Ltmp1, $3  }
0x14c: {  	_ =	sdelay $0x1  }
0x14d: {  	_ =	swait.ge [sflag:s8], $0x4000  }
0x14e: {  	[sflag:s8] =	ssyncset.done $0x0  }
0x14f: {  	s9 =	sadd.s32 $0x1, s9  }
0x150: {  	p0 =	sne.s32 s9, s5  }
.Ltmp2:
0x151: {  	_ = 	snop;
	(pc) =	sbr.rel @p0 .LBB2_1-.Ltmp2, $2  }
0x152: {  	_ =	sdelay $0x2  }
0x153: {  	[sflag:s8] =	ssyncadd.s32 $0xFFFFC000  }
0x154: {  	_ =	sfence.sel $0x180000  }
0x155: {  	[bflag:$0x0] =	sbarrier.arrive $0xFFFF  }
0x156: {  	p0 =	sne.s32 s2, $0x0;
	_ =	strace $0x90000047  }
0x157: {  	s0 =	sadd.s32 @!p0 $0x100000, s0;
	[bflag:$0x2] =	sbarrier.arrive $0xFFFF  }
0x158: {  	[sflag:s0] =	ssyncadd.tile.s32 @!p0 $0x1;
	_ =	shalt  }
.Lfunc_end2:
_tile_overlayer_lowered:
.L_overlay_start_2:
0x159: {  	(tag) =	ssettag $0x2  }
0x15a: {  	s0 =	rddreg [dreg:$0x0];
	s2 =	stileid.u32  }
0x15b: {  	s1 =	rddreg [dreg:$0x1];
	p0 =	sne.s32 s2, $0x0  }
0x15c: {  	s3 =	rddreg [dreg:$0x2];
	[bflag:$0x3] =	sbarrier.arrive $0xFFFF;
	s2 =	simm.s32 @!p0 $0x1C02  }
0x15d: {  	[timem:s3], [sflag:s2] =	dma.local @!p0 [hbm:s0], s1  }
0x15e: {  	s0 =	simm.s32 @!p0 $0x2  }
0x15f: {  	_ =	swait.ge @!p0 [sflag:s0], s1  }
0x160: {  	s1 =	ssub.s32 @!p0 $0x0, s1;
	[sflag:s0] =	ssyncset.done @!p0 $0x0  }
0x161: {  	[sflag:s0] =	ssyncadd.s32 @!p0 s1  }
0x162: {  	[bflag:$0x3] =	sbarrier.arrive $0xFFFF  }
0x163: {  	_ =	shalt  }

</sc_bundles>
